<compile_context>
chip_gen: v7x
topology: tpu7x:2x2x1
jax: 0.10.2.dev20260603
libtpu: 0.0.44.dev20260713+nightly
codegen_flags: <defaults>
</compile_context>

<pallas_src>
import jax
import jax.numpy as jnp
from jax import lax
from jax.experimental import pallas as pl
from jax.experimental.pallas import tpu as pltpu
from jax.experimental.pallas import tpu_sc as plsc

N = 10000
DIM = 128
E = 320000
TWO_E = 2 * E
NC, NS, L = 2, 16, 16
CHUNK = 128
BLK = 32
NCH_W = 320
EPAD = NS * NCH_W * CHUNK
NSAC = 128
NACC = N + NSAC
DEG_W = EPAD // NS
SPAD = 4608
SROW = SPAD // CHUNK
SEEDS = 4500

_mesh = plsc.VectorSubcoreMesh(
    core_axis_name="c", subcore_axis_name="s", num_cores=NC, num_subcores=NS)
_sc_params = pltpu.CompilerParams(needs_layout_passes=False)


def _deg_body(dsts, out, idx_v, hist_v):
    c = lax.axis_index("c")
    s = lax.axis_index("s")

    zeros = jnp.zeros((L,), jnp.float32)

    def zero_body(i, _):
        hist_v[pl.ds(i * L, L)] = zeros
        return 0

    lax.fori_loop(0, NACC // L, zero_body, 0)

    pltpu.sync_copy(dsts.at[pl.ds(c * EPAD + s * DEG_W, DEG_W)], idx_v)

    ones = jnp.ones((L,), jnp.float32)

    def body(i, _):
        v = idx_v[pl.ds(i * L, L)]
        plsc.addupdate_scatter(hist_v, [v], ones)
        return 0

    lax.fori_loop(0, DEG_W // L, body, 0)
    pltpu.sync_copy(hist_v, out.at[c, s])


_deg_call = pl.kernel(
    _deg_body,
    out_type=jax.ShapeDtypeStruct((NC, NS, NACC), jnp.float32),
    mesh=_mesh,
    scratch_types=[
        pltpu.VMEM((DEG_W,), jnp.int32),
        pltpu.VMEM((NACC,), jnp.float32),
    ],
    compiler_params=_sc_params,
)


def _prop_body(g, srcs, dsts, out,
               sbuf, dbuf, idxd2, rows0, rows1, acc_sh, sem0, sem1):
    c = lax.axis_index("c")
    s = lax.axis_index("s")
    cN = c * N

    t_off = 16 * 624 + 8 * jnp.minimum(s, 1)
    pltpu.sync_copy(g.at[pl.ds(cN + s * 624, 624)],
                    acc_sh.at[pl.ds(s * 624, 624)])
    pltpu.sync_copy(g.at[pl.ds(cN + t_off, 8)],
                    acc_sh.at[pl.ds(t_off, 8)])
    plsc.subcore_barrier()

    def wait_rows(buf, sem):
        pltpu.make_async_copy(g.at[pl.ds(0, CHUNK)], buf, sem).wait()

    def blk_body(b, _):
        eoff = (c * EPAD + s * NCH_W * CHUNK) + b * (BLK * CHUNK)
        pltpu.sync_copy(srcs.at[pl.ds(eoff, BLK * CHUNK)], sbuf)
        pltpu.sync_copy(dsts.at[pl.ds(eoff, BLK * CHUNK)], dbuf)

        def dcopy(i, _):
            v = dbuf[pl.ds(i * L, L)]
            idxd2[i // (CHUNK // L), pl.ds((i % (CHUNK // L)) * L, L)] = v
            return 0

        lax.fori_loop(0, BLK * CHUNK // L, dcopy, 0)

        pltpu.async_copy(g.at[sbuf.at[pl.ds(0, CHUNK)]], rows0, sem0)

        def body(i, _):
            t0 = 2 * i
            pltpu.async_copy(
                g.at[sbuf.at[pl.ds((t0 + 1) * CHUNK, CHUNK)]], rows1, sem1)
            wait_rows(rows0, sem0)
            pltpu.sync_copy(rows0, acc_sh.at[idxd2.at[t0]], add=True)
            t2 = jnp.minimum(t0 + 2, BLK - 1)
            pltpu.async_copy(
                g.at[sbuf.at[pl.ds(t2 * CHUNK, CHUNK)]], rows0, sem0)
            wait_rows(rows1, sem1)
            pltpu.sync_copy(rows1, acc_sh.at[idxd2.at[t0 + 1]], add=True)
            return 0

        lax.fori_loop(0, BLK // 2, body, 0)
        wait_rows(rows0, sem0)
        return 0

    lax.fori_loop(0, NCH_W // BLK, blk_body, 0)
    plsc.subcore_barrier()
    pltpu.sync_copy(acc_sh.at[pl.ds(s * 624, 624)],
                    out.at[pl.ds(cN + s * 624, 624)])
    pltpu.sync_copy(acc_sh.at[pl.ds(t_off, 8)],
                    out.at[pl.ds(cN + t_off, 8)])


_prop_call = pl.kernel(
    _prop_body,
    out_type=jax.ShapeDtypeStruct((NC * N, DIM), jnp.float32),
    mesh=_mesh,
    scratch_types=[
        pltpu.VMEM((BLK * CHUNK,), jnp.int32),
        pltpu.VMEM((BLK * CHUNK,), jnp.int32),
        pltpu.VMEM((BLK, CHUNK), jnp.int32),
        pltpu.VMEM((CHUNK, DIM), jnp.float32),
        pltpu.VMEM((CHUNK, DIM), jnp.float32),
        pltpu.VMEM_SHARED((NACC, DIM), jnp.float32),
        pltpu.SemaphoreType.DMA,
        pltpu.SemaphoreType.DMA,
    ],
    compiler_params=_sc_params,
)


def _seed_body(hid, seeds, out, i0, i1, i2, r0, r1, r2, s0, s1, s2):
    c = lax.axis_index("c")
    s = lax.axis_index("s")

    js = (s, s + NS, jnp.minimum(s + 2 * NS, SROW - 1))
    bufs = ((i0, r0, s0), (i1, r1, s1), (i2, r2, s2))
    for j, (iv, rv, sm) in zip(js, bufs):
        pltpu.sync_copy(seeds.at[pl.ds((c * SROW + j) * CHUNK, CHUNK)], iv)
        pltpu.async_copy(hid.at[iv], rv, sm)
    for j, (iv, rv, sm) in zip(js, bufs):
        pltpu.make_async_copy(hid.at[pl.ds(0, CHUNK)], rv, sm).wait()
        pltpu.sync_copy(rv, out.at[pl.ds((c * SROW + j) * CHUNK, CHUNK)])


_seed_call = pl.kernel(
    _seed_body,
    out_type=jax.ShapeDtypeStruct((NC * SPAD, DIM), jnp.float32),
    mesh=_mesh,
    scratch_types=[
        pltpu.VMEM((CHUNK,), jnp.int32),
        pltpu.VMEM((CHUNK,), jnp.int32),
        pltpu.VMEM((CHUNK,), jnp.int32),
        pltpu.VMEM((CHUNK, DIM), jnp.float32),
        pltpu.VMEM((CHUNK, DIM), jnp.float32),
        pltpu.VMEM((CHUNK, DIM), jnp.float32),
        pltpu.SemaphoreType.DMA,
        pltpu.SemaphoreType.DMA,
        pltpu.SemaphoreType.DMA,
    ],
    compiler_params=_sc_params,
)


def _dense0_body(part_ref, feats_sr_ref, feats_tg_ref,
                 g0_ref, f_sr_ref, f_tg_ref):
    part = part_ref[...]
    f_sr = lax.rsqrt(jnp.sum(part[0], axis=0)[:N] + 1.0)
    f_tg = lax.rsqrt(jnp.sum(part[1], axis=0)[:N] + 1.0)
    f_sr_ref[...] = f_sr
    f_tg_ref[...] = f_tg
    g0_ref[:N, :] = feats_sr_ref[...] * f_sr[:, None]
    g0_ref[N:, :] = feats_tg_ref[...] * f_tg[:, None]


def _dense0(part, feats_sr, feats_tg):
    return pl.pallas_call(
        _dense0_body,
        out_shape=(jax.ShapeDtypeStruct((NC * N, DIM), jnp.float32),
                   jax.ShapeDtypeStruct((N,), jnp.float32),
                   jax.ShapeDtypeStruct((N,), jnp.float32)),
    )(part, feats_sr, feats_tg)


def _dense1_body(agg_ref, f_sr_ref, f_tg_ref, w_ref, g1_ref):
    w = w_ref[...]

    def one(agg, f):
        h = jnp.dot(agg * f[:, None], w, preferred_element_type=jnp.float32)
        return jnp.maximum(h, 0.0) * f[:, None]

    g1_ref[:N, :] = one(agg_ref[:N, :], f_sr_ref[...])
    g1_ref[N:, :] = one(agg_ref[N:, :], f_tg_ref[...])


def _dense1(agg, f_sr, f_tg, w):
    return pl.pallas_call(
        _dense1_body,
        out_shape=jax.ShapeDtypeStruct((NC * N, DIM), jnp.float32),
    )(agg, f_sr, f_tg, w)


def _dense2_body(agg_ref, f_sr_ref, f_tg_ref, w_ref, hid_ref):
    w = w_ref[...]

    def one(agg, f):
        h = jnp.dot(agg * f[:, None], w, preferred_element_type=jnp.float32)
        nrm = jnp.sqrt(jnp.sum(h * h, axis=-1, keepdims=True))
        return h / jnp.maximum(nrm, 1e-12)

    hid_ref[:N, :] = one(agg_ref[:N, :], f_sr_ref[...])
    hid_ref[N:, :] = one(agg_ref[N:, :], f_tg_ref[...])


def _dense2(agg, f_sr, f_tg, w):
    return pl.pallas_call(
        _dense2_body,
        out_shape=jax.ShapeDtypeStruct((NC * N, DIM), jnp.float32),
    )(agg, f_sr, f_tg, w)


def _edge_lists(edges, node_off):
    pad = EPAD - TWO_E
    spread = jnp.arange(pad, dtype=jnp.int32)
    src = jnp.concatenate(
        [edges[:, 0] + node_off, edges[:, 1] + node_off,
         node_off + (spread % N)])
    dst = jnp.concatenate(
        [edges[:, 1], edges[:, 0], N + (spread % NSAC)])
    return src, dst


def _pad_seeds(seeds, node_off):
    return jnp.concatenate(
        [seeds + node_off, jnp.full((SPAD - SEEDS,), node_off, jnp.int32)])


def kernel(feats_sr, feats_tg, W0, W1, edges_sr, edges_tg,
           sr_ent_seeds, tg_ent_seeds, triples_sr, triples_tg):
    src_sr, dst_sr = _edge_lists(edges_sr, 0)
    src_tg, dst_tg = _edge_lists(edges_tg, N)
    srcs = jnp.concatenate([src_sr, src_tg])
    dsts = jnp.concatenate([dst_sr, dst_tg])

    part = _deg_call(dsts)
    g0, f_sr, f_tg = _dense0(part, feats_sr, feats_tg)

    agg0 = _prop_call(g0, srcs, dsts)
    g1 = _dense1(agg0, f_sr, f_tg, W0)
    agg1 = _prop_call(g1, srcs, dsts)
    hid = _dense2(agg1, f_sr, f_tg, W1)

    seeds = jnp.concatenate(
        [_pad_seeds(sr_ent_seeds, 0), _pad_seeds(tg_ent_seeds, N)])
    seed_out = _seed_call(hid, seeds)
    return (seed_out[:SEEDS], seed_out[SPAD:SPAD + SEEDS],
            hid[:N], hid[N:])

# --- scband reference (transcript-rebuilt; emitter-appended) ---
"""Pipeline reference for scband-stru-gnn-4956392259830 (READ-ONLY COPY).

The authoritative reference and input builder live on the scoring server;
editing this copy changes nothing except your own understanding.
"""

import jax, jax.numpy as jnp
import numpy as np

ENT_SR = 10000
ENT_TG = 10000
DIM = 128
E = 320000
SEEDS = 4500


def _gcn(feats, edges, Ws):
    # MultiLayerGCN (featureless=True, residual=False, eval-mode dropout=0):
    # symmetric-normalized adjacency with self-loops; relu between layers, not after last.
    N = feats.shape[0]
    self_loop = jnp.arange(N, dtype=edges.dtype)
    src = jnp.concatenate([edges[:, 0], edges[:, 1], self_loop])
    dst = jnp.concatenate([edges[:, 1], edges[:, 0], self_loop])
    deg = jax.ops.segment_sum(jnp.ones(src.shape[0], dtype=feats.dtype), dst, num_segments=N)
    deg = jnp.maximum(deg, 1.0)
    norm = jax.lax.rsqrt(deg[src]) * jax.lax.rsqrt(deg[dst])
    h = feats
    for i, W in enumerate(Ws):
        msg = h[src] * norm[:, None]
        h = jax.ops.segment_sum(msg, dst, num_segments=N)
        h = h @ W
        if i < len(Ws) - 1:
            h = jax.nn.relu(h)
    return h


def _l2norm(x):
    n = jnp.sqrt(jnp.sum(x * x, axis=-1, keepdims=True))
    return x / jnp.maximum(n, 1e-12)


def setup_inputs(seed: int = 0):
    key = jax.random.key(seed)
    ks = jax.random.split(key, 10)
    # xavier_uniform on the stacked (ENT_SR+ENT_TG, DIM) embedding, then split
    a = float(np.sqrt(6.0 / (ENT_SR + ENT_TG + DIM)))
    emb = jax.random.uniform(ks[0], (ENT_SR + ENT_TG, DIM), minval=-a, maxval=a, dtype=jnp.float32)
    feats_sr = emb[:ENT_SR]
    feats_tg = emb[ENT_SR:]
    wa = float(np.sqrt(6.0 / (DIM + DIM)))
    W0 = jax.random.uniform(ks[1], (DIM, DIM), minval=-wa, maxval=wa, dtype=jnp.float32)
    W1 = jax.random.uniform(ks[2], (DIM, DIM), minval=-wa, maxval=wa, dtype=jnp.float32)
    edges_sr = jax.random.randint(ks[3], (E, 2), 0, ENT_SR, dtype=jnp.int32)
    edges_tg = jax.random.randint(ks[4], (E, 2), 0, ENT_TG, dtype=jnp.int32)
    sr_ent_seeds = jax.random.randint(ks[5], (SEEDS,), 0, ENT_SR, dtype=jnp.int32)
    tg_ent_seeds = jax.random.randint(ks[6], (SEEDS,), 0, ENT_TG, dtype=jnp.int32)
    triples_sr = jax.random.randint(ks[7], (E, 3), 0, ENT_SR, dtype=jnp.int32)
    triples_tg = jax.random.randint(ks[8], (E, 3), 0, ENT_TG, dtype=jnp.int32)
    return {
        "feats_sr": feats_sr, "feats_tg": feats_tg,
        "W0": W0, "W1": W1,
        "edges_sr": edges_sr, "edges_tg": edges_tg,
        "sr_ent_seeds": sr_ent_seeds, "tg_ent_seeds": tg_ent_seeds,
        "triples_sr": triples_sr, "triples_tg": triples_tg,
    }


def reference(feats_sr, feats_tg, W0, W1, edges_sr, edges_tg,
              sr_ent_seeds, tg_ent_seeds, triples_sr, triples_tg):
    Ws = [W0, W1]
    sr_ent_hid = _gcn(feats_sr, edges_sr, Ws)
    tg_ent_hid = _gcn(feats_tg, edges_tg, Ws)
    sr_ent_hid = _l2norm(sr_ent_hid)
    tg_ent_hid = _l2norm(tg_ent_hid)
    sr_seed_hid = sr_ent_hid[sr_ent_seeds]
    tg_seed_hid = tg_ent_hid[tg_ent_seeds]
    return (sr_seed_hid, tg_seed_hid, sr_ent_hid, tg_ent_hid)

if __name__ == "__main__":
    import jax
    _d = setup_inputs()
    print(jax.jit(kernel)(*tuple(_d.values())))

</pallas_src>

<mosaic_0001>
#map = affine_map<(d0, d1) -> (0, 0)>
#map1 = affine_map<(d0, d1) -> (0)>
module attributes {stable_mosaic.version = 14 : i64} {
  func.func @_prop_body(%arg0: i32, %arg1: i32, %arg2: memref<20000x128xf32, #tpu.memory_space<hbm>>, %arg3: memref<1310720xi32, #tpu.memory_space<hbm>>, %arg4: memref<1310720xi32, #tpu.memory_space<hbm>>, %arg5: memref<20000x128xf32, #tpu.memory_space<hbm>>, %arg6: memref<4096xi32, #tpu.memory_space<vmem>>, %arg7: memref<4096xi32, #tpu.memory_space<vmem>>, %arg8: memref<32x128xi32, #tpu.memory_space<vmem>>, %arg9: memref<128x128xf32, #tpu.memory_space<vmem>>, %arg10: memref<128x128xf32, #tpu.memory_space<vmem>>, %arg11: memref<10128x128xf32, #tpu.memory_space<vmem_shared>>, %arg12: memref<!tpu.dma_semaphore, #tpu.memory_space<semaphore_mem>>, %arg13: memref<!tpu.dma_semaphore, #tpu.memory_space<semaphore_mem>>) attributes {dimension_semantics = [#tpu.dimension_semantics<core_parallel>, #tpu.dimension_semantics<subcore_parallel>], iteration_bounds = array<i64: 2, 16>, scalar_prefetch = 0 : i64, scratch_operands = 8 : i64, tpu.core_type = #tpu.core_type<sc_vector_subcore>, window_params = [{transform_indices = #map}, {transform_indices = #map1}, {transform_indices = #map1}, {transform_indices = #map}]} {
    %mul3A = arith.constant 10000 : i32
    %mul3A_0 = arith.muli %arg0, %mul3A : i32
    %min3A = arith.constant 1 : i32
    %min3A_1 = arith.minsi %arg1, %min3A : i32
    %mul3A_2 = arith.constant 8 : i32
    %mul3A_3 = arith.muli %mul3A_2, %min3A_1 : i32
    %add3A = arith.constant 9984 : i32
    %add3A_4 = arith.addi %add3A, %mul3A_3 : i32
    %mul3A_5 = arith.constant 624 : i32
    %mul3A_6 = arith.muli %arg1, %mul3A_5 : i32
    %add3A_7 = arith.addi %mul3A_0, %mul3A_6 : i32
    %mul3A_8 = arith.constant 624 : i32
    %mul3A_9 = arith.muli %arg1, %mul3A_8 : i32
    "tpu.region"() ({
      %run_scoped3A = tpu.sem_alloc : memref<!tpu.dma_semaphore, #tpu.memory_space<semaphore_mem>>
      %dma_start3A = arith.constant 0 : i32
      %dma_start3A_24 = tpu.memref_slice %arg11[%mul3A_9, %dma_start3A] : memref<10128x128xf32, #tpu.memory_space<vmem_shared>> -> memref<624x128xf32, #tpu.memory_space<vmem_shared>>
      %dma_start3A_25 = arith.constant 0 : i32
      %dma_start3A_26 = tpu.memref_slice %arg2[%add3A_7, %dma_start3A_25] : memref<20000x128xf32, #tpu.memory_space<hbm>> -> memref<624x128xf32, #tpu.memory_space<hbm>>
      tpu.enqueue_dma source(%dma_start3A_26 : memref<624x128xf32, #tpu.memory_space<hbm>>) target(%dma_start3A_24 : memref<624x128xf32, #tpu.memory_space<vmem_shared>>) target_semaphore(%run_scoped3A : memref<!tpu.dma_semaphore, #tpu.memory_space<semaphore_mem>>)
      %dma_wait3A = arith.constant 0 : i32
      %dma_wait3A_27 = tpu.memref_slice %arg11[%mul3A_9, %dma_wait3A] : memref<10128x128xf32, #tpu.memory_space<vmem_shared>> -> memref<624x128xf32, #tpu.memory_space<vmem_shared>>
      %dma_wait3A_28 = arith.constant 0 : i32
      %dma_wait3A_29 = tpu.memref_slice %arg2[%add3A_7, %dma_wait3A_28] : memref<20000x128xf32, #tpu.memory_space<hbm>> -> memref<624x128xf32, #tpu.memory_space<hbm>>
      tpu.wait_dma2 semaphore(%run_scoped3A : memref<!tpu.dma_semaphore, #tpu.memory_space<semaphore_mem>>) src(%dma_wait3A_29 : memref<624x128xf32, #tpu.memory_space<hbm>>) dst(%dma_wait3A_27 : memref<624x128xf32, #tpu.memory_space<vmem_shared>>)
      tpu.yield
    }) : () -> ()
    %add3A_10 = arith.addi %mul3A_0, %add3A_4 : i32
    "tpu.region"() ({
      %run_scoped3A = tpu.sem_alloc : memref<!tpu.dma_semaphore, #tpu.memory_space<semaphore_mem>>
      %dma_start3A = arith.constant 0 : i32
      %dma_start3A_24 = tpu.memref_slice %arg11[%add3A_4, %dma_start3A] : memref<10128x128xf32, #tpu.memory_space<vmem_shared>> -> memref<8x128xf32, #tpu.memory_space<vmem_shared>>
      %dma_start3A_25 = arith.constant 0 : i32
      %dma_start3A_26 = tpu.memref_slice %arg2[%add3A_10, %dma_start3A_25] : memref<20000x128xf32, #tpu.memory_space<hbm>> -> memref<8x128xf32, #tpu.memory_space<hbm>>
      tpu.enqueue_dma source(%dma_start3A_26 : memref<8x128xf32, #tpu.memory_space<hbm>>) target(%dma_start3A_24 : memref<8x128xf32, #tpu.memory_space<vmem_shared>>) target_semaphore(%run_scoped3A : memref<!tpu.dma_semaphore, #tpu.memory_space<semaphore_mem>>)
      %dma_wait3A = arith.constant 0 : i32
      %dma_wait3A_27 = tpu.memref_slice %arg11[%add3A_4, %dma_wait3A] : memref<10128x128xf32, #tpu.memory_space<vmem_shared>> -> memref<8x128xf32, #tpu.memory_space<vmem_shared>>
      %dma_wait3A_28 = arith.constant 0 : i32
      %dma_wait3A_29 = tpu.memref_slice %arg2[%add3A_10, %dma_wait3A_28] : memref<20000x128xf32, #tpu.memory_space<hbm>> -> memref<8x128xf32, #tpu.memory_space<hbm>>
      tpu.wait_dma2 semaphore(%run_scoped3A : memref<!tpu.dma_semaphore, #tpu.memory_space<semaphore_mem>>) src(%dma_wait3A_29 : memref<8x128xf32, #tpu.memory_space<hbm>>) dst(%dma_wait3A_27 : memref<8x128xf32, #tpu.memory_space<vmem_shared>>)
      tpu.yield
    }) : () -> ()
    %barrier3A = arith.constant 0 : index
    tpu.barrier barrier_id(%barrier3A)
    %scan3A = arith.constant 0 : i32
    %scan3A_11 = arith.constant 0 : i32
    %scan3A_12 = arith.constant 10 : i32
    %scan3A_13 = arith.addi %scan3A_11, %scan3A_12 : i32
    %scan3A_14 = arith.constant 1 : i32
    %scan3A_15 = scf.for %scan3A_24 = %scan3A_11 to %scan3A_13 step %scan3A_14 iter_args(%scan3A_25 = %scan3A) -> (i32)  : i32 {
      %mul3A_26 = arith.constant 655360 : i32
      %mul3A_27 = arith.muli %arg0, %mul3A_26 : i32
      %mul3A_28 = arith.constant 320 : i32
      %mul3A_29 = arith.muli %arg1, %mul3A_28 : i32
      %mul3A_30 = arith.constant 128 : i32
      %mul3A_31 = arith.muli %mul3A_29, %mul3A_30 : i32
      %add3A_32 = arith.addi %mul3A_27, %mul3A_31 : i32
      %mul3A_33 = arith.constant 4096 : i32
      %mul3A_34 = arith.muli %scan3A_24, %mul3A_33 : i32
      %add3A_35 = arith.addi %add3A_32, %mul3A_34 : i32
      "tpu.region"() ({
        %run_scoped3A = tpu.sem_alloc : memref<!tpu.dma_semaphore, #tpu.memory_space<semaphore_mem>>
        %dma_start3A_60 = tpu.memref_slice %arg3[%add3A_35] : memref<1310720xi32, #tpu.memory_space<hbm>> -> memref<4096xi32, #tpu.memory_space<hbm>>
        %dma_start3A_61 = tpu.memref_slice %arg3[%add3A_35] : memref<1310720xi32, #tpu.memory_space<hbm>> -> memref<4096xi32, #tpu.memory_space<hbm>>
        tpu.enqueue_dma source(%dma_start3A_61 : memref<4096xi32, #tpu.memory_space<hbm>>) target(%arg6 : memref<4096xi32, #tpu.memory_space<vmem>>) target_semaphore(%run_scoped3A : memref<!tpu.dma_semaphore, #tpu.memory_space<semaphore_mem>>)
        %dma_wait3A_62 = tpu.memref_slice %arg3[%add3A_35] : memref<1310720xi32, #tpu.memory_space<hbm>> -> memref<4096xi32, #tpu.memory_space<hbm>>
        %dma_wait3A_63 = tpu.memref_slice %arg3[%add3A_35] : memref<1310720xi32, #tpu.memory_space<hbm>> -> memref<4096xi32, #tpu.memory_space<hbm>>
        tpu.wait_dma2 semaphore(%run_scoped3A : memref<!tpu.dma_semaphore, #tpu.memory_space<semaphore_mem>>) src(%dma_wait3A_63 : memref<4096xi32, #tpu.memory_space<hbm>>) dst(%arg6 : memref<4096xi32, #tpu.memory_space<vmem>>)
        tpu.yield
      }) : () -> ()
      "tpu.region"() ({
        %run_scoped3A = tpu.sem_alloc : memref<!tpu.dma_semaphore, #tpu.memory_space<semaphore_mem>>
        %dma_start3A_60 = tpu.memref_slice %arg4[%add3A_35] : memref<1310720xi32, #tpu.memory_space<hbm>> -> memref<4096xi32, #tpu.memory_space<hbm>>
        %dma_start3A_61 = tpu.memref_slice %arg4[%add3A_35] : memref<1310720xi32, #tpu.memory_space<hbm>> -> memref<4096xi32, #tpu.memory_space<hbm>>
        tpu.enqueue_dma source(%dma_start3A_61 : memref<4096xi32, #tpu.memory_space<hbm>>) target(%arg7 : memref<4096xi32, #tpu.memory_space<vmem>>) target_semaphore(%run_scoped3A : memref<!tpu.dma_semaphore, #tpu.memory_space<semaphore_mem>>)
        %dma_wait3A_62 = tpu.memref_slice %arg4[%add3A_35] : memref<1310720xi32, #tpu.memory_space<hbm>> -> memref<4096xi32, #tpu.memory_space<hbm>>
        %dma_wait3A_63 = tpu.memref_slice %arg4[%add3A_35] : memref<1310720xi32, #tpu.memory_space<hbm>> -> memref<4096xi32, #tpu.memory_space<hbm>>
        tpu.wait_dma2 semaphore(%run_scoped3A : memref<!tpu.dma_semaphore, #tpu.memory_space<semaphore_mem>>) src(%dma_wait3A_63 : memref<4096xi32, #tpu.memory_space<hbm>>) dst(%arg7 : memref<4096xi32, #tpu.memory_space<vmem>>)
        tpu.yield
      }) : () -> ()
      %scan3A_36 = arith.constant 0 : i32
      %scan3A_37 = arith.constant 0 : i32
      %scan3A_38 = arith.constant 256 : i32
      %scan3A_39 = arith.addi %scan3A_37, %scan3A_38 : i32
      %scan3A_40 = arith.constant 1 : i32
      %scan3A_41 = scf.for %scan3A_60 = %scan3A_37 to %scan3A_39 step %scan3A_40 iter_args(%scan3A_61 = %scan3A_36) -> (i32)  : i32 {
        %mul3A_62 = arith.constant 16 : i32
        %mul3A_63 = arith.muli %scan3A_60, %mul3A_62 : i32
        %get3A = arith.index_cast %mul3A_63 : i32 to index
        %get3A_64 = tpu.vector_load %arg7[%get3A] {strides = array<i32>} : memref<4096xi32, #tpu.memory_space<vmem>>, vector<16xi32>,
        %jit3A = arith.constant 8 : i32
        %div3A = arith.divsi %scan3A_60, %jit3A : i32
        %sign3A = arith.constant 0 : i32
        %sign3A_65 = arith.cmpi sgt, %scan3A_60, %sign3A : i32
        %sign3A_66 = arith.extui %sign3A_65 : i1 to i32
        %sign3A_67 = arith.constant 0 : i32
        %sign3A_68 = arith.cmpi slt, %scan3A_60, %sign3A_67 : i32
        %sign3A_69 = arith.extui %sign3A_68 : i1 to i32
        %sign3A_70 = arith.subi %sign3A_66, %sign3A_69 : i32
        %sign3A_71 = arith.constant 0 : i32
        %sign3A_72 = arith.cmpi sgt, %jit3A, %sign3A_71 : i32
        %sign3A_73 = arith.extui %sign3A_72 : i1 to i32
        %sign3A_74 = arith.constant 0 : i32
        %sign3A_75 = arith.cmpi slt, %jit3A, %sign3A_74 : i32
        %sign3A_76 = arith.extui %sign3A_75 : i1 to i32
        %sign3A_77 = arith.subi %sign3A_73, %sign3A_76 : i32
        %ne3A = arith.cmpi ne, %sign3A_70, %sign3A_77 : i32
        %rem3A = arith.remsi %scan3A_60, %jit3A : i32
        %ne3A_78 = arith.constant 0 : i32
        %ne3A_79 = arith.cmpi ne, %rem3A, %ne3A_78 : i32
        %and3A = arith.andi %ne3A, %ne3A_79 : i1
        %sub3A = arith.constant 1 : i32
        %sub3A_80 = arith.subi %div3A, %sub3A : i32
        %select_n3A = arith.select %and3A, %sub3A_80, %div3A : i32
        %jit3A_81 = arith.constant 8 : i32
        %eq3A = arith.constant 0 : i32
        %eq3A_82 = arith.cmpi eq, %jit3A_81, %eq3A : i32
        %jit3A_83 = arith.constant 1 : i32
        %select_n3A_84 = arith.select %eq3A_82, %jit3A_83, %jit3A_81 : i32
        %rem3A_85 = arith.remsi %scan3A_60, %select_n3A_84 : i32
        %ne3A_86 = arith.constant 0 : i32
        %ne3A_87 = arith.cmpi ne, %rem3A_85, %ne3A_86 : i32
        %lt3A = arith.constant 0 : i32
        %lt3A_88 = arith.cmpi slt, %rem3A_85, %lt3A : i32
        %lt3A_89 = arith.constant 0 : i32
        %lt3A_90 = arith.cmpi slt, %select_n3A_84, %lt3A_89 : i32
        %ne3A_91 = arith.xori %lt3A_88, %lt3A_90 : i1
        %and3A_92 = arith.andi %ne3A_91, %ne3A_87 : i1
        %add3A_93 = arith.addi %rem3A_85, %select_n3A_84 : i32
        %select_n3A_94 = arith.select %and3A_92, %add3A_93, %rem3A_85 : i32
        %mul3A_95 = arith.constant 16 : i32
        %mul3A_96 = arith.muli %select_n3A_94, %mul3A_95 : i32
        %swap3A = arith.index_cast %select_n3A : i32 to index
        %swap3A_97 = arith.index_cast %mul3A_96 : i32 to index
        %swap3A_98 = tpu.vector_load %arg8[%swap3A, %swap3A_97] {strides = array<i32>} : memref<32x128xi32, #tpu.memory_space<vmem>>, vector<16xi32>,
        tpu.vector_store %arg8[%swap3A, %swap3A_97], %get3A_64 {strides = array<i32>} : memref<32x128xi32, #tpu.memory_space<vmem>>, vector<16xi32>,
        %scan3A_99 = arith.constant 0 : i32
        scf.yield %scan3A_99 : i32
      }
      %scan3A_42 = arith.constant 256 : i32
      %dma_start3A = arith.constant 0 : i32
      %dma_start3A_43 = tpu.memref_slice %arg6[%dma_start3A] : memref<4096xi32, #tpu.memory_space<vmem>> -> memref<128xi32, #tpu.memory_space<vmem>>
      %dma_start3A_44 = arith.constant 0 : i32
      %dma_start3A_45 = arith.constant 0 : i32
      %dma_start3A_46 = tpu.memref_slice %arg2[%dma_start3A_44, %dma_start3A_45] : memref<20000x128xf32, #tpu.memory_space<hbm>> -> memref<20000x128xf32, #tpu.memory_space<hbm>>
      tpu.enqueue_indirect_dma source(%dma_start3A_46 : memref<20000x128xf32, #tpu.memory_space<hbm>>) target(%arg9 : memref<128x128xf32, #tpu.memory_space<vmem>>) offsets(%dma_start3A_43 : memref<128xi32, #tpu.memory_space<vmem>>) semaphore(%arg12 : memref<!tpu.dma_semaphore, #tpu.memory_space<semaphore_mem>>)
      %scan3A_47 = arith.constant 0 : i32
      %scan3A_48 = arith.constant 0 : i32
      %scan3A_49 = arith.constant 16 : i32
      %scan3A_50 = arith.addi %scan3A_48, %scan3A_49 : i32
      %scan3A_51 = arith.constant 1 : i32
      %scan3A_52 = scf.for %scan3A_60 = %scan3A_48 to %scan3A_50 step %scan3A_51 iter_args(%scan3A_61 = %scan3A_47) -> (i32)  : i32 {
        %mul3A_62 = arith.constant 2 : i32
        %mul3A_63 = arith.muli %mul3A_62, %scan3A_60 : i32
        %add3A_64 = arith.constant 1 : i32
        %add3A_65 = arith.addi %mul3A_63, %add3A_64 : i32
        %mul3A_66 = arith.constant 128 : i32
        %mul3A_67 = arith.muli %add3A_65, %mul3A_66 : i32
        %dma_start3A_68 = tpu.memref_slice %arg6[%mul3A_67] : memref<4096xi32, #tpu.memory_space<vmem>> -> memref<128xi32, #tpu.memory_space<vmem>>
        %dma_start3A_69 = arith.constant 0 : i32
        %dma_start3A_70 = arith.constant 0 : i32
        %dma_start3A_71 = tpu.memref_slice %arg2[%dma_start3A_69, %dma_start3A_70] : memref<20000x128xf32, #tpu.memory_space<hbm>> -> memref<20000x128xf32, #tpu.memory_space<hbm>>
        tpu.enqueue_indirect_dma source(%dma_start3A_71 : memref<20000x128xf32, #tpu.memory_space<hbm>>) target(%arg10 : memref<128x128xf32, #tpu.memory_space<vmem>>) offsets(%dma_start3A_68 : memref<128xi32, #tpu.memory_space<vmem>>) semaphore(%arg13 : memref<!tpu.dma_semaphore, #tpu.memory_space<semaphore_mem>>)
        %dma_wait3A_72 = arith.constant 0 : i32
        %dma_wait3A_73 = arith.constant 0 : i32
        %dma_wait3A_74 = tpu.memref_slice %arg2[%dma_wait3A_72, %dma_wait3A_73] : memref<20000x128xf32, #tpu.memory_space<hbm>> -> memref<128x128xf32, #tpu.memory_space<hbm>>
        %dma_wait3A_75 = arith.constant 0 : i32
        %dma_wait3A_76 = arith.constant 0 : i32
        %dma_wait3A_77 = tpu.memref_slice %arg2[%dma_wait3A_75, %dma_wait3A_76] : memref<20000x128xf32, #tpu.memory_space<hbm>> -> memref<128x128xf32, #tpu.memory_space<hbm>>
        tpu.wait_dma2 semaphore(%arg12 : memref<!tpu.dma_semaphore, #tpu.memory_space<semaphore_mem>>) src(%dma_wait3A_77 : memref<128x128xf32, #tpu.memory_space<hbm>>) dst(%arg9 : memref<128x128xf32, #tpu.memory_space<vmem>>)
        "tpu.region"() ({
          %run_scoped3A = tpu.sem_alloc : memref<!tpu.dma_semaphore, #tpu.memory_space<semaphore_mem>>
          %dma_start3A_97 = arith.constant 0 : i32
          %dma_start3A_98 = tpu.memref_slice %arg8[%mul3A_63, %dma_start3A_97] : memref<32x128xi32, #tpu.memory_space<vmem>> -> memref<1x128xi32, #tpu.memory_space<vmem>>
          %dma_start3A_99 = tpu.memref_squeeze %dma_start3A_98 : memref<1x128xi32, #tpu.memory_space<vmem>> -> memref<128xi32, #tpu.memory_space<vmem>>
          %dma_start3A_100 = arith.constant 0 : i32
          %dma_start3A_101 = arith.constant 0 : i32
          %dma_start3A_102 = tpu.memref_slice %arg11[%dma_start3A_100, %dma_start3A_101] : memref<10128x128xf32, #tpu.memory_space<vmem_shared>> -> memref<10128x128xf32, #tpu.memory_space<vmem_shared>>
          tpu.enqueue_indirect_dma source(%arg9 : memref<128x128xf32, #tpu.memory_space<vmem>>) target(%dma_start3A_102 : memref<10128x128xf32, #tpu.memory_space<vmem_shared>>) offsets(%dma_start3A_99 : memref<128xi32, #tpu.memory_space<vmem>>) semaphore(%run_scoped3A : memref<!tpu.dma_semaphore, #tpu.memory_space<semaphore_mem>>) {add = true}
          %dma_wait3A_103 = arith.constant 0 : i32
          %dma_wait3A_104 = tpu.memref_slice %arg8[%mul3A_63, %dma_wait3A_103] : memref<32x128xi32, #tpu.memory_space<vmem>> -> memref<1x128xi32, #tpu.memory_space<vmem>>
          %dma_wait3A_105 = tpu.memref_squeeze %dma_wait3A_104 : memref<1x128xi32, #tpu.memory_space<vmem>> -> memref<128xi32, #tpu.memory_space<vmem>>
          %dma_wait3A_106 = arith.constant 0 : i32
          %dma_wait3A_107 = arith.constant 0 : i32
          %dma_wait3A_108 = tpu.memref_slice %arg11[%dma_wait3A_106, %dma_wait3A_107] : memref<10128x128xf32, #tpu.memory_space<vmem_shared>> -> memref<10128x128xf32, #tpu.memory_space<vmem_shared>>
          tpu.wait_indirect_dma semaphore(%run_scoped3A : memref<!tpu.dma_semaphore, #tpu.memory_space<semaphore_mem>>) src(%arg9 : memref<128x128xf32, #tpu.memory_space<vmem>>) dst(%dma_wait3A_108 : memref<10128x128xf32, #tpu.memory_space<vmem_shared>>)
          tpu.yield
        }) : () -> ()
        %add3A_78 = arith.constant 2 : i32
        %add3A_79 = arith.addi %mul3A_63, %add3A_78 : i32
        %min3A_80 = arith.constant 31 : i32
        %min3A_81 = arith.minsi %add3A_79, %min3A_80 : i32
        %mul3A_82 = arith.constant 128 : i32
        %mul3A_83 = arith.muli %min3A_81, %mul3A_82 : i32
        %dma_start3A_84 = tpu.memref_slice %arg6[%mul3A_83] : memref<4096xi32, #tpu.memory_space<vmem>> -> memref<128xi32, #tpu.memory_space<vmem>>
        %dma_start3A_85 = arith.constant 0 : i32
        %dma_start3A_86 = arith.constant 0 : i32
        %dma_start3A_87 = tpu.memref_slice %arg2[%dma_start3A_85, %dma_start3A_86] : memref<20000x128xf32, #tpu.memory_space<hbm>> -> memref<20000x128xf32, #tpu.memory_space<hbm>>
        tpu.enqueue_indirect_dma source(%dma_start3A_87 : memref<20000x128xf32, #tpu.memory_space<hbm>>) target(%arg9 : memref<128x128xf32, #tpu.memory_space<vmem>>) offsets(%dma_start3A_84 : memref<128xi32, #tpu.memory_space<vmem>>) semaphore(%arg12 : memref<!tpu.dma_semaphore, #tpu.memory_space<semaphore_mem>>)
        %dma_wait3A_88 = arith.constant 0 : i32
        %dma_wait3A_89 = arith.constant 0 : i32
        %dma_wait3A_90 = tpu.memref_slice %arg2[%dma_wait3A_88, %dma_wait3A_89] : memref<20000x128xf32, #tpu.memory_space<hbm>> -> memref<128x128xf32, #tpu.memory_space<hbm>>
        %dma_wait3A_91 = arith.constant 0 : i32
        %dma_wait3A_92 = arith.constant 0 : i32
        %dma_wait3A_93 = tpu.memref_slice %arg2[%dma_wait3A_91, %dma_wait3A_92] : memref<20000x128xf32, #tpu.memory_space<hbm>> -> memref<128x128xf32, #tpu.memory_space<hbm>>
        tpu.wait_dma2 semaphore(%arg13 : memref<!tpu.dma_semaphore, #tpu.memory_space<semaphore_mem>>) src(%dma_wait3A_93 : memref<128x128xf32, #tpu.memory_space<hbm>>) dst(%arg10 : memref<128x128xf32, #tpu.memory_space<vmem>>)
        %add3A_94 = arith.constant 1 : i32
        %add3A_95 = arith.addi %mul3A_63, %add3A_94 : i32
        "tpu.region"() ({
          %run_scoped3A = tpu.sem_alloc : memref<!tpu.dma_semaphore, #tpu.memory_space<semaphore_mem>>
          %dma_start3A_97 = arith.constant 0 : i32
          %dma_start3A_98 = tpu.memref_slice %arg8[%add3A_95, %dma_start3A_97] : memref<32x128xi32, #tpu.memory_space<vmem>> -> memref<1x128xi32, #tpu.memory_space<vmem>>
          %dma_start3A_99 = tpu.memref_squeeze %dma_start3A_98 : memref<1x128xi32, #tpu.memory_space<vmem>> -> memref<128xi32, #tpu.memory_space<vmem>>
          %dma_start3A_100 = arith.constant 0 : i32
          %dma_start3A_101 = arith.constant 0 : i32
          %dma_start3A_102 = tpu.memref_slice %arg11[%dma_start3A_100, %dma_start3A_101] : memref<10128x128xf32, #tpu.memory_space<vmem_shared>> -> memref<10128x128xf32, #tpu.memory_space<vmem_shared>>
          tpu.enqueue_indirect_dma source(%arg10 : memref<128x128xf32, #tpu.memory_space<vmem>>) target(%dma_start3A_102 : memref<10128x128xf32, #tpu.memory_space<vmem_shared>>) offsets(%dma_start3A_99 : memref<128xi32, #tpu.memory_space<vmem>>) semaphore(%run_scoped3A : memref<!tpu.dma_semaphore, #tpu.memory_space<semaphore_mem>>) {add = true}
          %dma_wait3A_103 = arith.constant 0 : i32
          %dma_wait3A_104 = tpu.memref_slice %arg8[%add3A_95, %dma_wait3A_103] : memref<32x128xi32, #tpu.memory_space<vmem>> -> memref<1x128xi32, #tpu.memory_space<vmem>>
          %dma_wait3A_105 = tpu.memref_squeeze %dma_wait3A_104 : memref<1x128xi32, #tpu.memory_space<vmem>> -> memref<128xi32, #tpu.memory_space<vmem>>
          %dma_wait3A_106 = arith.constant 0 : i32
          %dma_wait3A_107 = arith.constant 0 : i32
          %dma_wait3A_108 = tpu.memref_slice %arg11[%dma_wait3A_106, %dma_wait3A_107] : memref<10128x128xf32, #tpu.memory_space<vmem_shared>> -> memref<10128x128xf32, #tpu.memory_space<vmem_shared>>
          tpu.wait_indirect_dma semaphore(%run_scoped3A : memref<!tpu.dma_semaphore, #tpu.memory_space<semaphore_mem>>) src(%arg10 : memref<128x128xf32, #tpu.memory_space<vmem>>) dst(%dma_wait3A_108 : memref<10128x128xf32, #tpu.memory_space<vmem_shared>>)
          tpu.yield
        }) : () -> ()
        %scan3A_96 = arith.constant 0 : i32
        scf.yield %scan3A_96 : i32
      }
      %scan3A_53 = arith.constant 16 : i32
      %dma_wait3A = arith.constant 0 : i32
      %dma_wait3A_54 = arith.constant 0 : i32
      %dma_wait3A_55 = tpu.memref_slice %arg2[%dma_wait3A, %dma_wait3A_54] : memref<20000x128xf32, #tpu.memory_space<hbm>> -> memref<128x128xf32, #tpu.memory_space<hbm>>
      %dma_wait3A_56 = arith.constant 0 : i32
      %dma_wait3A_57 = arith.constant 0 : i32
      %dma_wait3A_58 = tpu.memref_slice %arg2[%dma_wait3A_56, %dma_wait3A_57] : memref<20000x128xf32, #tpu.memory_space<hbm>> -> memref<128x128xf32, #tpu.memory_space<hbm>>
      tpu.wait_dma2 semaphore(%arg12 : memref<!tpu.dma_semaphore, #tpu.memory_space<semaphore_mem>>) src(%dma_wait3A_58 : memref<128x128xf32, #tpu.memory_space<hbm>>) dst(%arg9 : memref<128x128xf32, #tpu.memory_space<vmem>>)
      %scan3A_59 = arith.constant 0 : i32
      scf.yield %scan3A_59 : i32
    }
    %scan3A_16 = arith.constant 10 : i32
    %barrier3A_17 = arith.constant 0 : index
    tpu.barrier barrier_id(%barrier3A_17)
    %mul3A_18 = arith.constant 624 : i32
    %mul3A_19 = arith.muli %arg1, %mul3A_18 : i32
    %mul3A_20 = arith.constant 624 : i32
    %mul3A_21 = arith.muli %arg1, %mul3A_20 : i32
    %add3A_22 = arith.addi %mul3A_0, %mul3A_21 : i32
    "tpu.region"() ({
      %run_scoped3A = tpu.sem_alloc : memref<!tpu.dma_semaphore, #tpu.memory_space<semaphore_mem>>
      %dma_start3A = arith.constant 0 : i32
      %dma_start3A_24 = tpu.memref_slice %arg5[%add3A_22, %dma_start3A] : memref<20000x128xf32, #tpu.memory_space<hbm>> -> memref<624x128xf32, #tpu.memory_space<hbm>>
      %dma_start3A_25 = arith.constant 0 : i32
      %dma_start3A_26 = tpu.memref_slice %arg11[%mul3A_19, %dma_start3A_25] : memref<10128x128xf32, #tpu.memory_space<vmem_shared>> -> memref<624x128xf32, #tpu.memory_space<vmem_shared>>
      tpu.enqueue_dma source(%dma_start3A_26 : memref<624x128xf32, #tpu.memory_space<vmem_shared>>) target(%dma_start3A_24 : memref<624x128xf32, #tpu.memory_space<hbm>>) target_semaphore(%run_scoped3A : memref<!tpu.dma_semaphore, #tpu.memory_space<semaphore_mem>>)
      %dma_wait3A = arith.constant 0 : i32
      %dma_wait3A_27 = tpu.memref_slice %arg5[%add3A_22, %dma_wait3A] : memref<20000x128xf32, #tpu.memory_space<hbm>> -> memref<624x128xf32, #tpu.memory_space<hbm>>
      %dma_wait3A_28 = arith.constant 0 : i32
      %dma_wait3A_29 = tpu.memref_slice %arg11[%mul3A_19, %dma_wait3A_28] : memref<10128x128xf32, #tpu.memory_space<vmem_shared>> -> memref<624x128xf32, #tpu.memory_space<vmem_shared>>
      tpu.wait_dma2 semaphore(%run_scoped3A : memref<!tpu.dma_semaphore, #tpu.memory_space<semaphore_mem>>) src(%dma_wait3A_29 : memref<624x128xf32, #tpu.memory_space<vmem_shared>>) dst(%dma_wait3A_27 : memref<624x128xf32, #tpu.memory_space<hbm>>)
      tpu.yield
    }) : () -> ()
    %add3A_23 = arith.addi %mul3A_0, %add3A_4 : i32
    "tpu.region"() ({
      %run_scoped3A = tpu.sem_alloc : memref<!tpu.dma_semaphore, #tpu.memory_space<semaphore_mem>>
      %dma_start3A = arith.constant 0 : i32
      %dma_start3A_24 = tpu.memref_slice %arg5[%add3A_23, %dma_start3A] : memref<20000x128xf32, #tpu.memory_space<hbm>> -> memref<8x128xf32, #tpu.memory_space<hbm>>
      %dma_start3A_25 = arith.constant 0 : i32
      %dma_start3A_26 = tpu.memref_slice %arg11[%add3A_4, %dma_start3A_25] : memref<10128x128xf32, #tpu.memory_space<vmem_shared>> -> memref<8x128xf32, #tpu.memory_space<vmem_shared>>
      tpu.enqueue_dma source(%dma_start3A_26 : memref<8x128xf32, #tpu.memory_space<vmem_shared>>) target(%dma_start3A_24 : memref<8x128xf32, #tpu.memory_space<hbm>>) target_semaphore(%run_scoped3A : memref<!tpu.dma_semaphore, #tpu.memory_space<semaphore_mem>>)
      %dma_wait3A = arith.constant 0 : i32
      %dma_wait3A_27 = tpu.memref_slice %arg5[%add3A_23, %dma_wait3A] : memref<20000x128xf32, #tpu.memory_space<hbm>> -> memref<8x128xf32, #tpu.memory_space<hbm>>
      %dma_wait3A_28 = arith.constant 0 : i32
      %dma_wait3A_29 = tpu.memref_slice %arg11[%add3A_4, %dma_wait3A_28] : memref<10128x128xf32, #tpu.memory_space<vmem_shared>> -> memref<8x128xf32, #tpu.memory_space<vmem_shared>>
      tpu.wait_dma2 semaphore(%run_scoped3A : memref<!tpu.dma_semaphore, #tpu.memory_space<semaphore_mem>>) src(%dma_wait3A_29 : memref<8x128xf32, #tpu.memory_space<vmem_shared>>) dst(%dma_wait3A_27 : memref<8x128xf32, #tpu.memory_space<hbm>>)
      tpu.yield
    }) : () -> ()
    return
  }
}

#map = affine_map<(d0, d1) -> (0, 0)>
#map1 = affine_map<(d0, d1) -> (0)>
module attributes {stable_mosaic.version = 14 : i64} {
  func.func @_seed_body(%arg0: i32, %arg1: i32, %arg2: memref<20000x128xf32, #tpu.memory_space<hbm>>, %arg3: memref<9216xi32, #tpu.memory_space<hbm>>, %arg4: memref<9216x128xf32, #tpu.memory_space<hbm>>, %arg5: memref<128xi32, #tpu.memory_space<vmem>>, %arg6: memref<128xi32, #tpu.memory_space<vmem>>, %arg7: memref<128xi32, #tpu.memory_space<vmem>>, %arg8: memref<128x128xf32, #tpu.memory_space<vmem>>, %arg9: memref<128x128xf32, #tpu.memory_space<vmem>>, %arg10: memref<128x128xf32, #tpu.memory_space<vmem>>, %arg11: memref<!tpu.dma_semaphore, #tpu.memory_space<semaphore_mem>>, %arg12: memref<!tpu.dma_semaphore, #tpu.memory_space<semaphore_mem>>, %arg13: memref<!tpu.dma_semaphore, #tpu.memory_space<semaphore_mem>>) attributes {dimension_semantics = [#tpu.dimension_semantics<core_parallel>, #tpu.dimension_semantics<subcore_parallel>], iteration_bounds = array<i64: 2, 16>, scalar_prefetch = 0 : i64, scratch_operands = 9 : i64, tpu.core_type = #tpu.core_type<sc_vector_subcore>, window_params = [{transform_indices = #map}, {transform_indices = #map1}, {transform_indices = #map}]} {
    %add3A = arith.constant 16 : i32
    %add3A_0 = arith.addi %arg1, %add3A : i32
    %add3A_1 = arith.constant 32 : i32
    %add3A_2 = arith.addi %arg1, %add3A_1 : i32
    %min3A = arith.constant 35 : i32
    %min3A_3 = arith.minsi %add3A_2, %min3A : i32
    %mul3A = arith.constant 36 : i32
    %mul3A_4 = arith.muli %arg0, %mul3A : i32
    %add3A_5 = arith.addi %mul3A_4, %arg1 : i32
    %mul3A_6 = arith.constant 128 : i32
    %mul3A_7 = arith.muli %add3A_5, %mul3A_6 : i32
    "tpu.region"() ({
      %run_scoped3A = tpu.sem_alloc : memref<!tpu.dma_semaphore, #tpu.memory_space<semaphore_mem>>
      %dma_start3A_58 = tpu.memref_slice %arg3[%mul3A_7] : memref<9216xi32, #tpu.memory_space<hbm>> -> memref<128xi32, #tpu.memory_space<hbm>>
      %dma_start3A_59 = tpu.memref_slice %arg3[%mul3A_7] : memref<9216xi32, #tpu.memory_space<hbm>> -> memref<128xi32, #tpu.memory_space<hbm>>
      tpu.enqueue_dma source(%dma_start3A_59 : memref<128xi32, #tpu.memory_space<hbm>>) target(%arg5 : memref<128xi32, #tpu.memory_space<vmem>>) target_semaphore(%run_scoped3A : memref<!tpu.dma_semaphore, #tpu.memory_space<semaphore_mem>>)
      %dma_wait3A_60 = tpu.memref_slice %arg3[%mul3A_7] : memref<9216xi32, #tpu.memory_space<hbm>> -> memref<128xi32, #tpu.memory_space<hbm>>
      %dma_wait3A_61 = tpu.memref_slice %arg3[%mul3A_7] : memref<9216xi32, #tpu.memory_space<hbm>> -> memref<128xi32, #tpu.memory_space<hbm>>
      tpu.wait_dma2 semaphore(%run_scoped3A : memref<!tpu.dma_semaphore, #tpu.memory_space<semaphore_mem>>) src(%dma_wait3A_61 : memref<128xi32, #tpu.memory_space<hbm>>) dst(%arg5 : memref<128xi32, #tpu.memory_space<vmem>>)
      tpu.yield
    }) : () -> ()
    %dma_start3A = arith.constant 0 : i32
    %dma_start3A_8 = arith.constant 0 : i32
    %dma_start3A_9 = tpu.memref_slice %arg2[%dma_start3A, %dma_start3A_8] : memref<20000x128xf32, #tpu.memory_space<hbm>> -> memref<20000x128xf32, #tpu.memory_space<hbm>>
    tpu.enqueue_indirect_dma source(%dma_start3A_9 : memref<20000x128xf32, #tpu.memory_space<hbm>>) target(%arg8 : memref<128x128xf32, #tpu.memory_space<vmem>>) offsets(%arg5 : memref<128xi32, #tpu.memory_space<vmem>>) semaphore(%arg11 : memref<!tpu.dma_semaphore, #tpu.memory_space<semaphore_mem>>)
    %mul3A_10 = arith.constant 36 : i32
    %mul3A_11 = arith.muli %arg0, %mul3A_10 : i32
    %add3A_12 = arith.addi %mul3A_11, %add3A_0 : i32
    %mul3A_13 = arith.constant 128 : i32
    %mul3A_14 = arith.muli %add3A_12, %mul3A_13 : i32
    "tpu.region"() ({
      %run_scoped3A = tpu.sem_alloc : memref<!tpu.dma_semaphore, #tpu.memory_space<semaphore_mem>>
      %dma_start3A_58 = tpu.memref_slice %arg3[%mul3A_14] : memref<9216xi32, #tpu.memory_space<hbm>> -> memref<128xi32, #tpu.memory_space<hbm>>
      %dma_start3A_59 = tpu.memref_slice %arg3[%mul3A_14] : memref<9216xi32, #tpu.memory_space<hbm>> -> memref<128xi32, #tpu.memory_space<hbm>>
      tpu.enqueue_dma source(%dma_start3A_59 : memref<128xi32, #tpu.memory_space<hbm>>) target(%arg6 : memref<128xi32, #tpu.memory_space<vmem>>) target_semaphore(%run_scoped3A : memref<!tpu.dma_semaphore, #tpu.memory_space<semaphore_mem>>)
      %dma_wait3A_60 = tpu.memref_slice %arg3[%mul3A_14] : memref<9216xi32, #tpu.memory_space<hbm>> -> memref<128xi32, #tpu.memory_space<hbm>>
      %dma_wait3A_61 = tpu.memref_slice %arg3[%mul3A_14] : memref<9216xi32, #tpu.memory_space<hbm>> -> memref<128xi32, #tpu.memory_space<hbm>>
      tpu.wait_dma2 semaphore(%run_scoped3A : memref<!tpu.dma_semaphore, #tpu.memory_space<semaphore_mem>>) src(%dma_wait3A_61 : memref<128xi32, #tpu.memory_space<hbm>>) dst(%arg6 : memref<128xi32, #tpu.memory_space<vmem>>)
      tpu.yield
    }) : () -> ()
    %dma_start3A_15 = arith.constant 0 : i32
    %dma_start3A_16 = arith.constant 0 : i32
    %dma_start3A_17 = tpu.memref_slice %arg2[%dma_start3A_15, %dma_start3A_16] : memref<20000x128xf32, #tpu.memory_space<hbm>> -> memref<20000x128xf32, #tpu.memory_space<hbm>>
    tpu.enqueue_indirect_dma source(%dma_start3A_17 : memref<20000x128xf32, #tpu.memory_space<hbm>>) target(%arg9 : memref<128x128xf32, #tpu.memory_space<vmem>>) offsets(%arg6 : memref<128xi32, #tpu.memory_space<vmem>>) semaphore(%arg12 : memref<!tpu.dma_semaphore, #tpu.memory_space<semaphore_mem>>)
    %mul3A_18 = arith.constant 36 : i32
    %mul3A_19 = arith.muli %arg0, %mul3A_18 : i32
    %add3A_20 = arith.addi %mul3A_19, %min3A_3 : i32
    %mul3A_21 = arith.constant 128 : i32
    %mul3A_22 = arith.muli %add3A_20, %mul3A_21 : i32
    "tpu.region"() ({
      %run_scoped3A = tpu.sem_alloc : memref<!tpu.dma_semaphore, #tpu.memory_space<semaphore_mem>>
      %dma_start3A_58 = tpu.memref_slice %arg3[%mul3A_22] : memref<9216xi32, #tpu.memory_space<hbm>> -> memref<128xi32, #tpu.memory_space<hbm>>
      %dma_start3A_59 = tpu.memref_slice %arg3[%mul3A_22] : memref<9216xi32, #tpu.memory_space<hbm>> -> memref<128xi32, #tpu.memory_space<hbm>>
      tpu.enqueue_dma source(%dma_start3A_59 : memref<128xi32, #tpu.memory_space<hbm>>) target(%arg7 : memref<128xi32, #tpu.memory_space<vmem>>) target_semaphore(%run_scoped3A : memref<!tpu.dma_semaphore, #tpu.memory_space<semaphore_mem>>)
      %dma_wait3A_60 = tpu.memref_slice %arg3[%mul3A_22] : memref<9216xi32, #tpu.memory_space<hbm>> -> memref<128xi32, #tpu.memory_space<hbm>>
      %dma_wait3A_61 = tpu.memref_slice %arg3[%mul3A_22] : memref<9216xi32, #tpu.memory_space<hbm>> -> memref<128xi32, #tpu.memory_space<hbm>>
      tpu.wait_dma2 semaphore(%run_scoped3A : memref<!tpu.dma_semaphore, #tpu.memory_space<semaphore_mem>>) src(%dma_wait3A_61 : memref<128xi32, #tpu.memory_space<hbm>>) dst(%arg7 : memref<128xi32, #tpu.memory_space<vmem>>)
      tpu.yield
    }) : () -> ()
    %dma_start3A_23 = arith.constant 0 : i32
    %dma_start3A_24 = arith.constant 0 : i32
    %dma_start3A_25 = tpu.memref_slice %arg2[%dma_start3A_23, %dma_start3A_24] : memref<20000x128xf32, #tpu.memory_space<hbm>> -> memref<20000x128xf32, #tpu.memory_space<hbm>>
    tpu.enqueue_indirect_dma source(%dma_start3A_25 : memref<20000x128xf32, #tpu.memory_space<hbm>>) target(%arg10 : memref<128x128xf32, #tpu.memory_space<vmem>>) offsets(%arg7 : memref<128xi32, #tpu.memory_space<vmem>>) semaphore(%arg13 : memref<!tpu.dma_semaphore, #tpu.memory_space<semaphore_mem>>)
    %dma_wait3A = arith.constant 0 : i32
    %dma_wait3A_26 = arith.constant 0 : i32
    %dma_wait3A_27 = tpu.memref_slice %arg2[%dma_wait3A, %dma_wait3A_26] : memref<20000x128xf32, #tpu.memory_space<hbm>> -> memref<128x128xf32, #tpu.memory_space<hbm>>
    %dma_wait3A_28 = arith.constant 0 : i32
    %dma_wait3A_29 = arith.constant 0 : i32
    %dma_wait3A_30 = tpu.memref_slice %arg2[%dma_wait3A_28, %dma_wait3A_29] : memref<20000x128xf32, #tpu.memory_space<hbm>> -> memref<128x128xf32, #tpu.memory_space<hbm>>
    tpu.wait_dma2 semaphore(%arg11 : memref<!tpu.dma_semaphore, #tpu.memory_space<semaphore_mem>>) src(%dma_wait3A_30 : memref<128x128xf32, #tpu.memory_space<hbm>>) dst(%arg8 : memref<128x128xf32, #tpu.memory_space<vmem>>)
    %mul3A_31 = arith.constant 36 : i32
    %mul3A_32 = arith.muli %arg0, %mul3A_31 : i32
    %add3A_33 = arith.addi %mul3A_32, %arg1 : i32
    %mul3A_34 = arith.constant 128 : i32
    %mul3A_35 = arith.muli %add3A_33, %mul3A_34 : i32
    "tpu.region"() ({
      %run_scoped3A = tpu.sem_alloc : memref<!tpu.dma_semaphore, #tpu.memory_space<semaphore_mem>>
      %dma_start3A_58 = arith.constant 0 : i32
      %dma_start3A_59 = tpu.memref_slice %arg4[%mul3A_35, %dma_start3A_58] : memref<9216x128xf32, #tpu.memory_space<hbm>> -> memref<128x128xf32, #tpu.memory_space<hbm>>
      %dma_start3A_60 = arith.constant 0 : i32
      %dma_start3A_61 = tpu.memref_slice %arg4[%mul3A_35, %dma_start3A_60] : memref<9216x128xf32, #tpu.memory_space<hbm>> -> memref<128x128xf32, #tpu.memory_space<hbm>>
      tpu.enqueue_dma source(%arg8 : memref<128x128xf32, #tpu.memory_space<vmem>>) target(%dma_start3A_61 : memref<128x128xf32, #tpu.memory_space<hbm>>) target_semaphore(%run_scoped3A : memref<!tpu.dma_semaphore, #tpu.memory_space<semaphore_mem>>)
      %dma_wait3A_62 = arith.constant 0 : i32
      %dma_wait3A_63 = tpu.memref_slice %arg4[%mul3A_35, %dma_wait3A_62] : memref<9216x128xf32, #tpu.memory_space<hbm>> -> memref<128x128xf32, #tpu.memory_space<hbm>>
      %dma_wait3A_64 = arith.constant 0 : i32
      %dma_wait3A_65 = tpu.memref_slice %arg4[%mul3A_35, %dma_wait3A_64] : memref<9216x128xf32, #tpu.memory_space<hbm>> -> memref<128x128xf32, #tpu.memory_space<hbm>>
      tpu.wait_dma2 semaphore(%run_scoped3A : memref<!tpu.dma_semaphore, #tpu.memory_space<semaphore_mem>>) src(%arg8 : memref<128x128xf32, #tpu.memory_space<vmem>>) dst(%dma_wait3A_65 : memref<128x128xf32, #tpu.memory_space<hbm>>)
      tpu.yield
    }) : () -> ()
    %dma_wait3A_36 = arith.constant 0 : i32
    %dma_wait3A_37 = arith.constant 0 : i32
    %dma_wait3A_38 = tpu.memref_slice %arg2[%dma_wait3A_36, %dma_wait3A_37] : memref<20000x128xf32, #tpu.memory_space<hbm>> -> memref<128x128xf32, #tpu.memory_space<hbm>>
    %dma_wait3A_39 = arith.constant 0 : i32
    %dma_wait3A_40 = arith.constant 0 : i32
    %dma_wait3A_41 = tpu.memref_slice %arg2[%dma_wait3A_39, %dma_wait3A_40] : memref<20000x128xf32, #tpu.memory_space<hbm>> -> memref<128x128xf32, #tpu.memory_space<hbm>>
    tpu.wait_dma2 semaphore(%arg12 : memref<!tpu.dma_semaphore, #tpu.memory_space<semaphore_mem>>) src(%dma_wait3A_41 : memref<128x128xf32, #tpu.memory_space<hbm>>) dst(%arg9 : memref<128x128xf32, #tpu.memory_space<vmem>>)
    %mul3A_42 = arith.constant 36 : i32
    %mul3A_43 = arith.muli %arg0, %mul3A_42 : i32
    %add3A_44 = arith.addi %mul3A_43, %add3A_0 : i32
    %mul3A_45 = arith.constant 128 : i32
    %mul3A_46 = arith.muli %add3A_44, %mul3A_45 : i32
    "tpu.region"() ({
      %run_scoped3A = tpu.sem_alloc : memref<!tpu.dma_semaphore, #tpu.memory_space<semaphore_mem>>
      %dma_start3A_58 = arith.constant 0 : i32
      %dma_start3A_59 = tpu.memref_slice %arg4[%mul3A_46, %dma_start3A_58] : memref<9216x128xf32, #tpu.memory_space<hbm>> -> memref<128x128xf32, #tpu.memory_space<hbm>>
      %dma_start3A_60 = arith.constant 0 : i32
      %dma_start3A_61 = tpu.memref_slice %arg4[%mul3A_46, %dma_start3A_60] : memref<9216x128xf32, #tpu.memory_space<hbm>> -> memref<128x128xf32, #tpu.memory_space<hbm>>
      tpu.enqueue_dma source(%arg9 : memref<128x128xf32, #tpu.memory_space<vmem>>) target(%dma_start3A_61 : memref<128x128xf32, #tpu.memory_space<hbm>>) target_semaphore(%run_scoped3A : memref<!tpu.dma_semaphore, #tpu.memory_space<semaphore_mem>>)
      %dma_wait3A_62 = arith.constant 0 : i32
      %dma_wait3A_63 = tpu.memref_slice %arg4[%mul3A_46, %dma_wait3A_62] : memref<9216x128xf32, #tpu.memory_space<hbm>> -> memref<128x128xf32, #tpu.memory_space<hbm>>
      %dma_wait3A_64 = arith.constant 0 : i32
      %dma_wait3A_65 = tpu.memref_slice %arg4[%mul3A_46, %dma_wait3A_64] : memref<9216x128xf32, #tpu.memory_space<hbm>> -> memref<128x128xf32, #tpu.memory_space<hbm>>
      tpu.wait_dma2 semaphore(%run_scoped3A : memref<!tpu.dma_semaphore, #tpu.memory_space<semaphore_mem>>) src(%arg9 : memref<128x128xf32, #tpu.memory_space<vmem>>) dst(%dma_wait3A_65 : memref<128x128xf32, #tpu.memory_space<hbm>>)
      tpu.yield
    }) : () -> ()
    %dma_wait3A_47 = arith.constant 0 : i32
    %dma_wait3A_48 = arith.constant 0 : i32
    %dma_wait3A_49 = tpu.memref_slice %arg2[%dma_wait3A_47, %dma_wait3A_48] : memref<20000x128xf32, #tpu.memory_space<hbm>> -> memref<128x128xf32, #tpu.memory_space<hbm>>
    %dma_wait3A_50 = arith.constant 0 : i32
    %dma_wait3A_51 = arith.constant 0 : i32
    %dma_wait3A_52 = tpu.memref_slice %arg2[%dma_wait3A_50, %dma_wait3A_51] : memref<20000x128xf32, #tpu.memory_space<hbm>> -> memref<128x128xf32, #tpu.memory_space<hbm>>
    tpu.wait_dma2 semaphore(%arg13 : memref<!tpu.dma_semaphore, #tpu.memory_space<semaphore_mem>>) src(%dma_wait3A_52 : memref<128x128xf32, #tpu.memory_space<hbm>>) dst(%arg10 : memref<128x128xf32, #tpu.memory_space<vmem>>)
    %mul3A_53 = arith.constant 36 : i32
    %mul3A_54 = arith.muli %arg0, %mul3A_53 : i32
    %add3A_55 = arith.addi %mul3A_54, %min3A_3 : i32
    %mul3A_56 = arith.constant 128 : i32
    %mul3A_57 = arith.muli %add3A_55, %mul3A_56 : i32
    "tpu.region"() ({
      %run_scoped3A = tpu.sem_alloc : memref<!tpu.dma_semaphore, #tpu.memory_space<semaphore_mem>>
      %dma_start3A_58 = arith.constant 0 : i32
      %dma_start3A_59 = tpu.memref_slice %arg4[%mul3A_57, %dma_start3A_58] : memref<9216x128xf32, #tpu.memory_space<hbm>> -> memref<128x128xf32, #tpu.memory_space<hbm>>
      %dma_start3A_60 = arith.constant 0 : i32
      %dma_start3A_61 = tpu.memref_slice %arg4[%mul3A_57, %dma_start3A_60] : memref<9216x128xf32, #tpu.memory_space<hbm>> -> memref<128x128xf32, #tpu.memory_space<hbm>>
      tpu.enqueue_dma source(%arg10 : memref<128x128xf32, #tpu.memory_space<vmem>>) target(%dma_start3A_61 : memref<128x128xf32, #tpu.memory_space<hbm>>) target_semaphore(%run_scoped3A : memref<!tpu.dma_semaphore, #tpu.memory_space<semaphore_mem>>)
      %dma_wait3A_62 = arith.constant 0 : i32
      %dma_wait3A_63 = tpu.memref_slice %arg4[%mul3A_57, %dma_wait3A_62] : memref<9216x128xf32, #tpu.memory_space<hbm>> -> memref<128x128xf32, #tpu.memory_space<hbm>>
      %dma_wait3A_64 = arith.constant 0 : i32
      %dma_wait3A_65 = tpu.memref_slice %arg4[%mul3A_57, %dma_wait3A_64] : memref<9216x128xf32, #tpu.memory_space<hbm>> -> memref<128x128xf32, #tpu.memory_space<hbm>>
      tpu.wait_dma2 semaphore(%run_scoped3A : memref<!tpu.dma_semaphore, #tpu.memory_space<semaphore_mem>>) src(%arg10 : memref<128x128xf32, #tpu.memory_space<vmem>>) dst(%dma_wait3A_65 : memref<128x128xf32, #tpu.memory_space<hbm>>)
      tpu.yield
    }) : () -> ()
    return
  }
}

#map = affine_map<(d0, d1) -> (0)>
#map1 = affine_map<(d0, d1) -> (0, 0, 0)>
module attributes {stable_mosaic.version = 14 : i64} {
  func.func @_deg_body(%arg0: i32, %arg1: i32, %arg2: memref<1310720xi32, #tpu.memory_space<hbm>>, %arg3: memref<2x16x10128xf32, #tpu.memory_space<hbm>>, %arg4: memref<40960xi32, #tpu.memory_space<vmem>>, %arg5: memref<10128xf32, #tpu.memory_space<vmem>>) attributes {dimension_semantics = [#tpu.dimension_semantics<core_parallel>, #tpu.dimension_semantics<subcore_parallel>], iteration_bounds = array<i64: 2, 16>, scalar_prefetch = 0 : i64, scratch_operands = 2 : i64, tpu.core_type = #tpu.core_type<sc_vector_subcore>, window_params = [{transform_indices = #map}, {transform_indices = #map1}]} {
    %broadcast_in_dim3A = arith.constant 0.000000e+00 : f32
    %broadcast_in_dim3A_0 = vector.broadcast %broadcast_in_dim3A : f32 to vector<16xf32>
    %scan3A = arith.constant 0 : i32
    %scan3A_1 = arith.constant 0 : i32
    %scan3A_2 = arith.constant 633 : i32
    %scan3A_3 = arith.addi %scan3A_1, %scan3A_2 : i32
    %scan3A_4 = arith.constant 1 : i32
    %scan3A_5 = scf.for %scan3A_19 = %scan3A_1 to %scan3A_3 step %scan3A_4 iter_args(%scan3A_20 = %scan3A) -> (i32)  : i32 {
      %mul3A_21 = arith.constant 16 : i32
      %mul3A_22 = arith.muli %scan3A_19, %mul3A_21 : i32
      %swap3A = arith.index_cast %mul3A_22 : i32 to index
      %swap3A_23 = tpu.vector_load %arg5[%swap3A] {strides = array<i32>} : memref<10128xf32, #tpu.memory_space<vmem>>, vector<16xf32>,
      tpu.vector_store %arg5[%swap3A], %broadcast_in_dim3A_0 {strides = array<i32>} : memref<10128xf32, #tpu.memory_space<vmem>>, vector<16xf32>,
      %scan3A_24 = arith.constant 0 : i32
      scf.yield %scan3A_24 : i32
    }
    %scan3A_6 = arith.constant 633 : i32
    %mul3A = arith.constant 655360 : i32
    %mul3A_7 = arith.muli %arg0, %mul3A : i32
    %mul3A_8 = arith.constant 40960 : i32
    %mul3A_9 = arith.muli %arg1, %mul3A_8 : i32
    %add3A = arith.addi %mul3A_7, %mul3A_9 : i32
    "tpu.region"() ({
      %run_scoped3A = tpu.sem_alloc : memref<!tpu.dma_semaphore, #tpu.memory_space<semaphore_mem>>
      %dma_start3A = tpu.memref_slice %arg2[%add3A] : memref<1310720xi32, #tpu.memory_space<hbm>> -> memref<40960xi32, #tpu.memory_space<hbm>>
      %dma_start3A_19 = tpu.memref_slice %arg2[%add3A] : memref<1310720xi32, #tpu.memory_space<hbm>> -> memref<40960xi32, #tpu.memory_space<hbm>>
      tpu.enqueue_dma source(%dma_start3A_19 : memref<40960xi32, #tpu.memory_space<hbm>>) target(%arg4 : memref<40960xi32, #tpu.memory_space<vmem>>) target_semaphore(%run_scoped3A : memref<!tpu.dma_semaphore, #tpu.memory_space<semaphore_mem>>)
      %dma_wait3A = tpu.memref_slice %arg2[%add3A] : memref<1310720xi32, #tpu.memory_space<hbm>> -> memref<40960xi32, #tpu.memory_space<hbm>>
      %dma_wait3A_20 = tpu.memref_slice %arg2[%add3A] : memref<1310720xi32, #tpu.memory_space<hbm>> -> memref<40960xi32, #tpu.memory_space<hbm>>
      tpu.wait_dma2 semaphore(%run_scoped3A : memref<!tpu.dma_semaphore, #tpu.memory_space<semaphore_mem>>) src(%dma_wait3A_20 : memref<40960xi32, #tpu.memory_space<hbm>>) dst(%arg4 : memref<40960xi32, #tpu.memory_space<vmem>>)
      tpu.yield
    }) : () -> ()
    %broadcast_in_dim3A_10 = arith.constant 1.000000e+00 : f32
    %broadcast_in_dim3A_11 = vector.broadcast %broadcast_in_dim3A_10 : f32 to vector<16xf32>
    %scan3A_12 = arith.constant 0 : i32
    %scan3A_13 = arith.constant 0 : i32
    %scan3A_14 = arith.constant 2560 : i32
    %scan3A_15 = arith.addi %scan3A_13, %scan3A_14 : i32
    %scan3A_16 = arith.constant 1 : i32
    %scan3A_17 = scf.for %scan3A_19 = %scan3A_13 to %scan3A_15 step %scan3A_16 iter_args(%scan3A_20 = %scan3A_12) -> (i32)  : i32 {
      %mul3A_21 = arith.constant 16 : i32
      %mul3A_22 = arith.muli %scan3A_19, %mul3A_21 : i32
      %get3A = arith.index_cast %mul3A_22 : i32 to index
      %get3A_23 = tpu.vector_load %arg4[%get3A] {strides = array<i32>} : memref<40960xi32, #tpu.memory_space<vmem>>, vector<16xi32>,
      tpu.vector_store_idx %arg5[%get3A_23], %broadcast_in_dim3A_11 {add = true} : memref<10128xf32, #tpu.memory_space<vmem>>[vector<16xi32>], vector<16xf32>,
      %scan3A_24 = arith.constant 0 : i32
      scf.yield %scan3A_24 : i32
    }
    %scan3A_18 = arith.constant 2560 : i32
    "tpu.region"() ({
      %run_scoped3A = tpu.sem_alloc : memref<!tpu.dma_semaphore, #tpu.memory_space<semaphore_mem>>
      %dma_start3A = arith.constant 0 : i32
      %dma_start3A_19 = tpu.memref_slice %arg3[%arg0, %arg1, %dma_start3A] : memref<2x16x10128xf32, #tpu.memory_space<hbm>> -> memref<1x1x10128xf32, #tpu.memory_space<hbm>>
      %dma_start3A_20 = tpu.memref_squeeze %dma_start3A_19 : memref<1x1x10128xf32, #tpu.memory_space<hbm>> -> memref<10128xf32, #tpu.memory_space<hbm>>
      %dma_start3A_21 = arith.constant 0 : i32
      %dma_start3A_22 = tpu.memref_slice %arg3[%arg0, %arg1, %dma_start3A_21] : memref<2x16x10128xf32, #tpu.memory_space<hbm>> -> memref<1x1x10128xf32, #tpu.memory_space<hbm>>
      %dma_start3A_23 = tpu.memref_squeeze %dma_start3A_22 : memref<1x1x10128xf32, #tpu.memory_space<hbm>> -> memref<10128xf32, #tpu.memory_space<hbm>>
      tpu.enqueue_dma source(%arg5 : memref<10128xf32, #tpu.memory_space<vmem>>) target(%dma_start3A_23 : memref<10128xf32, #tpu.memory_space<hbm>>) target_semaphore(%run_scoped3A : memref<!tpu.dma_semaphore, #tpu.memory_space<semaphore_mem>>)
      %dma_wait3A = arith.constant 0 : i32
      %dma_wait3A_24 = tpu.memref_slice %arg3[%arg0, %arg1, %dma_wait3A] : memref<2x16x10128xf32, #tpu.memory_space<hbm>> -> memref<1x1x10128xf32, #tpu.memory_space<hbm>>
      %dma_wait3A_25 = tpu.memref_squeeze %dma_wait3A_24 : memref<1x1x10128xf32, #tpu.memory_space<hbm>> -> memref<10128xf32, #tpu.memory_space<hbm>>
      %dma_wait3A_26 = arith.constant 0 : i32
      %dma_wait3A_27 = tpu.memref_slice %arg3[%arg0, %arg1, %dma_wait3A_26] : memref<2x16x10128xf32, #tpu.memory_space<hbm>> -> memref<1x1x10128xf32, #tpu.memory_space<hbm>>
      %dma_wait3A_28 = tpu.memref_squeeze %dma_wait3A_27 : memref<1x1x10128xf32, #tpu.memory_space<hbm>> -> memref<10128xf32, #tpu.memory_space<hbm>>
      tpu.wait_dma2 semaphore(%run_scoped3A : memref<!tpu.dma_semaphore, #tpu.memory_space<semaphore_mem>>) src(%arg5 : memref<10128xf32, #tpu.memory_space<vmem>>) dst(%dma_wait3A_28 : memref<10128xf32, #tpu.memory_space<hbm>>)
      tpu.yield
    }) : () -> ()
    return
  }
}

#map = affine_map<(d0, d1) -> (0, 0)>
#map1 = affine_map<(d0, d1) -> (0)>
module attributes {stable_mosaic.version = 14 : i64} {
  func.func @_prop_body(%arg0: i32, %arg1: i32, %arg2: memref<20000x128xf32, #tpu.memory_space<hbm>>, %arg3: memref<1310720xi32, #tpu.memory_space<hbm>>, %arg4: memref<1310720xi32, #tpu.memory_space<hbm>>, %arg5: memref<20000x128xf32, #tpu.memory_space<hbm>>, %arg6: memref<4096xi32, #tpu.memory_space<vmem>>, %arg7: memref<4096xi32, #tpu.memory_space<vmem>>, %arg8: memref<32x128xi32, #tpu.memory_space<vmem>>, %arg9: memref<128x128xf32, #tpu.memory_space<vmem>>, %arg10: memref<128x128xf32, #tpu.memory_space<vmem>>, %arg11: memref<10128x128xf32, #tpu.memory_space<vmem_shared>>, %arg12: memref<!tpu.dma_semaphore, #tpu.memory_space<semaphore_mem>>, %arg13: memref<!tpu.dma_semaphore, #tpu.memory_space<semaphore_mem>>) attributes {dimension_semantics = [#tpu.dimension_semantics<core_parallel>, #tpu.dimension_semantics<subcore_parallel>], iteration_bounds = array<i64: 2, 16>, scalar_prefetch = 0 : i64, scratch_operands = 8 : i64, tpu.core_type = #tpu.core_type<sc_vector_subcore>, window_params = [{transform_indices = #map}, {transform_indices = #map1}, {transform_indices = #map1}, {transform_indices = #map}]} {
    %mul3A = arith.constant 10000 : i32
    %mul3A_0 = arith.muli %arg0, %mul3A : i32
    %min3A = arith.constant 1 : i32
    %min3A_1 = arith.minsi %arg1, %min3A : i32
    %mul3A_2 = arith.constant 8 : i32
    %mul3A_3 = arith.muli %mul3A_2, %min3A_1 : i32
    %add3A = arith.constant 9984 : i32
    %add3A_4 = arith.addi %add3A, %mul3A_3 : i32
    %mul3A_5 = arith.constant 624 : i32
    %mul3A_6 = arith.muli %arg1, %mul3A_5 : i32
    %add3A_7 = arith.addi %mul3A_0, %mul3A_6 : i32
    %mul3A_8 = arith.constant 624 : i32
    %mul3A_9 = arith.muli %arg1, %mul3A_8 : i32
    "tpu.region"() ({
      %run_scoped3A = tpu.sem_alloc : memref<!tpu.dma_semaphore, #tpu.memory_space<semaphore_mem>>
      %dma_start3A = arith.constant 0 : i32
      %dma_start3A_24 = tpu.memref_slice %arg11[%mul3A_9, %dma_start3A] : memref<10128x128xf32, #tpu.memory_space<vmem_shared>> -> memref<624x128xf32, #tpu.memory_space<vmem_shared>>
      %dma_start3A_25 = arith.constant 0 : i32
      %dma_start3A_26 = tpu.memref_slice %arg2[%add3A_7, %dma_start3A_25] : memref<20000x128xf32, #tpu.memory_space<hbm>> -> memref<624x128xf32, #tpu.memory_space<hbm>>
      tpu.enqueue_dma source(%dma_start3A_26 : memref<624x128xf32, #tpu.memory_space<hbm>>) target(%dma_start3A_24 : memref<624x128xf32, #tpu.memory_space<vmem_shared>>) target_semaphore(%run_scoped3A : memref<!tpu.dma_semaphore, #tpu.memory_space<semaphore_mem>>)
      %dma_wait3A = arith.constant 0 : i32
      %dma_wait3A_27 = tpu.memref_slice %arg11[%mul3A_9, %dma_wait3A] : memref<10128x128xf32, #tpu.memory_space<vmem_shared>> -> memref<624x128xf32, #tpu.memory_space<vmem_shared>>
      %dma_wait3A_28 = arith.constant 0 : i32
      %dma_wait3A_29 = tpu.memref_slice %arg2[%add3A_7, %dma_wait3A_28] : memref<20000x128xf32, #tpu.memory_space<hbm>> -> memref<624x128xf32, #tpu.memory_space<hbm>>
      tpu.wait_dma2 semaphore(%run_scoped3A : memref<!tpu.dma_semaphore, #tpu.memory_space<semaphore_mem>>) src(%dma_wait3A_29 : memref<624x128xf32, #tpu.memory_space<hbm>>) dst(%dma_wait3A_27 : memref<624x128xf32, #tpu.memory_space<vmem_shared>>)
      tpu.yield
    }) : () -> ()
    %add3A_10 = arith.addi %mul3A_0, %add3A_4 : i32
    "tpu.region"() ({
      %run_scoped3A = tpu.sem_alloc : memref<!tpu.dma_semaphore, #tpu.memory_space<semaphore_mem>>
      %dma_start3A = arith.constant 0 : i32
      %dma_start3A_24 = tpu.memref_slice %arg11[%add3A_4, %dma_start3A] : memref<10128x128xf32, #tpu.memory_space<vmem_shared>> -> memref<8x128xf32, #tpu.memory_space<vmem_shared>>
      %dma_start3A_25 = arith.constant 0 : i32
      %dma_start3A_26 = tpu.memref_slice %arg2[%add3A_10, %dma_start3A_25] : memref<20000x128xf32, #tpu.memory_space<hbm>> -> memref<8x128xf32, #tpu.memory_space<hbm>>
      tpu.enqueue_dma source(%dma_start3A_26 : memref<8x128xf32, #tpu.memory_space<hbm>>) target(%dma_start3A_24 : memref<8x128xf32, #tpu.memory_space<vmem_shared>>) target_semaphore(%run_scoped3A : memref<!tpu.dma_semaphore, #tpu.memory_space<semaphore_mem>>)
      %dma_wait3A = arith.constant 0 : i32
      %dma_wait3A_27 = tpu.memref_slice %arg11[%add3A_4, %dma_wait3A] : memref<10128x128xf32, #tpu.memory_space<vmem_shared>> -> memref<8x128xf32, #tpu.memory_space<vmem_shared>>
      %dma_wait3A_28 = arith.constant 0 : i32
      %dma_wait3A_29 = tpu.memref_slice %arg2[%add3A_10, %dma_wait3A_28] : memref<20000x128xf32, #tpu.memory_space<hbm>> -> memref<8x128xf32, #tpu.memory_space<hbm>>
      tpu.wait_dma2 semaphore(%run_scoped3A : memref<!tpu.dma_semaphore, #tpu.memory_space<semaphore_mem>>) src(%dma_wait3A_29 : memref<8x128xf32, #tpu.memory_space<hbm>>) dst(%dma_wait3A_27 : memref<8x128xf32, #tpu.memory_space<vmem_shared>>)
      tpu.yield
    }) : () -> ()
    %barrier3A = arith.constant 0 : index
    tpu.barrier barrier_id(%barrier3A)
    %scan3A = arith.constant 0 : i32
    %scan3A_11 = arith.constant 0 : i32
    %scan3A_12 = arith.constant 10 : i32
    %scan3A_13 = arith.addi %scan3A_11, %scan3A_12 : i32
    %scan3A_14 = arith.constant 1 : i32
    %scan3A_15 = scf.for %scan3A_24 = %scan3A_11 to %scan3A_13 step %scan3A_14 iter_args(%scan3A_25 = %scan3A) -> (i32)  : i32 {
      %mul3A_26 = arith.constant 655360 : i32
      %mul3A_27 = arith.muli %arg0, %mul3A_26 : i32
      %mul3A_28 = arith.constant 320 : i32
      %mul3A_29 = arith.muli %arg1, %mul3A_28 : i32
      %mul3A_30 = arith.constant 128 : i32
      %mul3A_31 = arith.muli %mul3A_29, %mul3A_30 : i32
      %add3A_32 = arith.addi %mul3A_27, %mul3A_31 : i32
      %mul3A_33 = arith.constant 4096 : i32
      %mul3A_34 = arith.muli %scan3A_24, %mul3A_33 : i32
      %add3A_35 = arith.addi %add3A_32, %mul3A_34 : i32
      "tpu.region"() ({
        %run_scoped3A = tpu.sem_alloc : memref<!tpu.dma_semaphore, #tpu.memory_space<semaphore_mem>>
        %dma_start3A_60 = tpu.memref_slice %arg3[%add3A_35] : memref<1310720xi32, #tpu.memory_space<hbm>> -> memref<4096xi32, #tpu.memory_space<hbm>>
        %dma_start3A_61 = tpu.memref_slice %arg3[%add3A_35] : memref<1310720xi32, #tpu.memory_space<hbm>> -> memref<4096xi32, #tpu.memory_space<hbm>>
        tpu.enqueue_dma source(%dma_start3A_61 : memref<4096xi32, #tpu.memory_space<hbm>>) target(%arg6 : memref<4096xi32, #tpu.memory_space<vmem>>) target_semaphore(%run_scoped3A : memref<!tpu.dma_semaphore, #tpu.memory_space<semaphore_mem>>)
        %dma_wait3A_62 = tpu.memref_slice %arg3[%add3A_35] : memref<1310720xi32, #tpu.memory_space<hbm>> -> memref<4096xi32, #tpu.memory_space<hbm>>
        %dma_wait3A_63 = tpu.memref_slice %arg3[%add3A_35] : memref<1310720xi32, #tpu.memory_space<hbm>> -> memref<4096xi32, #tpu.memory_space<hbm>>
        tpu.wait_dma2 semaphore(%run_scoped3A : memref<!tpu.dma_semaphore, #tpu.memory_space<semaphore_mem>>) src(%dma_wait3A_63 : memref<4096xi32, #tpu.memory_space<hbm>>) dst(%arg6 : memref<4096xi32, #tpu.memory_space<vmem>>)
        tpu.yield
      }) : () -> ()
      "tpu.region"() ({
        %run_scoped3A = tpu.sem_alloc : memref<!tpu.dma_semaphore, #tpu.memory_space<semaphore_mem>>
        %dma_start3A_60 = tpu.memref_slice %arg4[%add3A_35] : memref<1310720xi32, #tpu.memory_space<hbm>> -> memref<4096xi32, #tpu.memory_space<hbm>>
        %dma_start3A_61 = tpu.memref_slice %arg4[%add3A_35] : memref<1310720xi32, #tpu.memory_space<hbm>> -> memref<4096xi32, #tpu.memory_space<hbm>>
        tpu.enqueue_dma source(%dma_start3A_61 : memref<4096xi32, #tpu.memory_space<hbm>>) target(%arg7 : memref<4096xi32, #tpu.memory_space<vmem>>) target_semaphore(%run_scoped3A : memref<!tpu.dma_semaphore, #tpu.memory_space<semaphore_mem>>)
        %dma_wait3A_62 = tpu.memref_slice %arg4[%add3A_35] : memref<1310720xi32, #tpu.memory_space<hbm>> -> memref<4096xi32, #tpu.memory_space<hbm>>
        %dma_wait3A_63 = tpu.memref_slice %arg4[%add3A_35] : memref<1310720xi32, #tpu.memory_space<hbm>> -> memref<4096xi32, #tpu.memory_space<hbm>>
        tpu.wait_dma2 semaphore(%run_scoped3A : memref<!tpu.dma_semaphore, #tpu.memory_space<semaphore_mem>>) src(%dma_wait3A_63 : memref<4096xi32, #tpu.memory_space<hbm>>) dst(%arg7 : memref<4096xi32, #tpu.memory_space<vmem>>)
        tpu.yield
      }) : () -> ()
      %scan3A_36 = arith.constant 0 : i32
      %scan3A_37 = arith.constant 0 : i32
      %scan3A_38 = arith.constant 256 : i32
      %scan3A_39 = arith.addi %scan3A_37, %scan3A_38 : i32
      %scan3A_40 = arith.constant 1 : i32
      %scan3A_41 = scf.for %scan3A_60 = %scan3A_37 to %scan3A_39 step %scan3A_40 iter_args(%scan3A_61 = %scan3A_36) -> (i32)  : i32 {
        %mul3A_62 = arith.constant 16 : i32
        %mul3A_63 = arith.muli %scan3A_60, %mul3A_62 : i32
        %get3A = arith.index_cast %mul3A_63 : i32 to index
        %get3A_64 = tpu.vector_load %arg7[%get3A] {strides = array<i32>} : memref<4096xi32, #tpu.memory_space<vmem>>, vector<16xi32>,
        %jit3A = arith.constant 8 : i32
        %div3A = arith.divsi %scan3A_60, %jit3A : i32
        %sign3A = arith.constant 0 : i32
        %sign3A_65 = arith.cmpi sgt, %scan3A_60, %sign3A : i32
        %sign3A_66 = arith.extui %sign3A_65 : i1 to i32
        %sign3A_67 = arith.constant 0 : i32
        %sign3A_68 = arith.cmpi slt, %scan3A_60, %sign3A_67 : i32
        %sign3A_69 = arith.extui %sign3A_68 : i1 to i32
        %sign3A_70 = arith.subi %sign3A_66, %sign3A_69 : i32
        %sign3A_71 = arith.constant 0 : i32
        %sign3A_72 = arith.cmpi sgt, %jit3A, %sign3A_71 : i32
        %sign3A_73 = arith.extui %sign3A_72 : i1 to i32
        %sign3A_74 = arith.constant 0 : i32
        %sign3A_75 = arith.cmpi slt, %jit3A, %sign3A_74 : i32
        %sign3A_76 = arith.extui %sign3A_75 : i1 to i32
        %sign3A_77 = arith.subi %sign3A_73, %sign3A_76 : i32
        %ne3A = arith.cmpi ne, %sign3A_70, %sign3A_77 : i32
        %rem3A = arith.remsi %scan3A_60, %jit3A : i32
        %ne3A_78 = arith.constant 0 : i32
        %ne3A_79 = arith.cmpi ne, %rem3A, %ne3A_78 : i32
        %and3A = arith.andi %ne3A, %ne3A_79 : i1
        %sub3A = arith.constant 1 : i32
        %sub3A_80 = arith.subi %div3A, %sub3A : i32
        %select_n3A = arith.select %and3A, %sub3A_80, %div3A : i32
        %jit3A_81 = arith.constant 8 : i32
        %eq3A = arith.constant 0 : i32
        %eq3A_82 = arith.cmpi eq, %jit3A_81, %eq3A : i32
        %jit3A_83 = arith.constant 1 : i32
        %select_n3A_84 = arith.select %eq3A_82, %jit3A_83, %jit3A_81 : i32
        %rem3A_85 = arith.remsi %scan3A_60, %select_n3A_84 : i32
        %ne3A_86 = arith.constant 0 : i32
        %ne3A_87 = arith.cmpi ne, %rem3A_85, %ne3A_86 : i32
        %lt3A = arith.constant 0 : i32
        %lt3A_88 = arith.cmpi slt, %rem3A_85, %lt3A : i32
        %lt3A_89 = arith.constant 0 : i32
        %lt3A_90 = arith.cmpi slt, %select_n3A_84, %lt3A_89 : i32
        %ne3A_91 = arith.xori %lt3A_88, %lt3A_90 : i1
        %and3A_92 = arith.andi %ne3A_91, %ne3A_87 : i1
        %add3A_93 = arith.addi %rem3A_85, %select_n3A_84 : i32
        %select_n3A_94 = arith.select %and3A_92, %add3A_93, %rem3A_85 : i32
        %mul3A_95 = arith.constant 16 : i32
        %mul3A_96 = arith.muli %select_n3A_94, %mul3A_95 : i32
        %swap3A = arith.index_cast %select_n3A : i32 to index
        %swap3A_97 = arith.index_cast %mul3A_96 : i32 to index
        %swap3A_98 = tpu.vector_load %arg8[%swap3A, %swap3A_97] {strides = array<i32>} : memref<32x128xi32, #tpu.memory_space<vmem>>, vector<16xi32>,
        tpu.vector_store %arg8[%swap3A, %swap3A_97], %get3A_64 {strides = array<i32>} : memref<32x128xi32, #tpu.memory_space<vmem>>, vector<16xi32>,
        %scan3A_99 = arith.constant 0 : i32
        scf.yield %scan3A_99 : i32
      }
      %scan3A_42 = arith.constant 256 : i32
      %dma_start3A = arith.constant 0 : i32
      %dma_start3A_43 = tpu.memref_slice %arg6[%dma_start3A] : memref<4096xi32, #tpu.memory_space<vmem>> -> memref<128xi32, #tpu.memory_space<vmem>>
      %dma_start3A_44 = arith.constant 0 : i32
      %dma_start3A_45 = arith.constant 0 : i32
      %dma_start3A_46 = tpu.memref_slice %arg2[%dma_start3A_44, %dma_start3A_45] : memref<20000x128xf32, #tpu.memory_space<hbm>> -> memref<20000x128xf32, #tpu.memory_space<hbm>>
      tpu.enqueue_indirect_dma source(%dma_start3A_46 : memref<20000x128xf32, #tpu.memory_space<hbm>>) target(%arg9 : memref<128x128xf32, #tpu.memory_space<vmem>>) offsets(%dma_start3A_43 : memref<128xi32, #tpu.memory_space<vmem>>) semaphore(%arg12 : memref<!tpu.dma_semaphore, #tpu.memory_space<semaphore_mem>>)
      %scan3A_47 = arith.constant 0 : i32
      %scan3A_48 = arith.constant 0 : i32
      %scan3A_49 = arith.constant 16 : i32
      %scan3A_50 = arith.addi %scan3A_48, %scan3A_49 : i32
      %scan3A_51 = arith.constant 1 : i32
      %scan3A_52 = scf.for %scan3A_60 = %scan3A_48 to %scan3A_50 step %scan3A_51 iter_args(%scan3A_61 = %scan3A_47) -> (i32)  : i32 {
        %mul3A_62 = arith.constant 2 : i32
        %mul3A_63 = arith.muli %mul3A_62, %scan3A_60 : i32
        %add3A_64 = arith.constant 1 : i32
        %add3A_65 = arith.addi %mul3A_63, %add3A_64 : i32
        %mul3A_66 = arith.constant 128 : i32
        %mul3A_67 = arith.muli %add3A_65, %mul3A_66 : i32
        %dma_start3A_68 = tpu.memref_slice %arg6[%mul3A_67] : memref<4096xi32, #tpu.memory_space<vmem>> -> memref<128xi32, #tpu.memory_space<vmem>>
        %dma_start3A_69 = arith.constant 0 : i32
        %dma_start3A_70 = arith.constant 0 : i32
        %dma_start3A_71 = tpu.memref_slice %arg2[%dma_start3A_69, %dma_start3A_70] : memref<20000x128xf32, #tpu.memory_space<hbm>> -> memref<20000x128xf32, #tpu.memory_space<hbm>>
        tpu.enqueue_indirect_dma source(%dma_start3A_71 : memref<20000x128xf32, #tpu.memory_space<hbm>>) target(%arg10 : memref<128x128xf32, #tpu.memory_space<vmem>>) offsets(%dma_start3A_68 : memref<128xi32, #tpu.memory_space<vmem>>) semaphore(%arg13 : memref<!tpu.dma_semaphore, #tpu.memory_space<semaphore_mem>>)
        %dma_wait3A_72 = arith.constant 0 : i32
        %dma_wait3A_73 = arith.constant 0 : i32
        %dma_wait3A_74 = tpu.memref_slice %arg2[%dma_wait3A_72, %dma_wait3A_73] : memref<20000x128xf32, #tpu.memory_space<hbm>> -> memref<128x128xf32, #tpu.memory_space<hbm>>
        %dma_wait3A_75 = arith.constant 0 : i32
        %dma_wait3A_76 = arith.constant 0 : i32
        %dma_wait3A_77 = tpu.memref_slice %arg2[%dma_wait3A_75, %dma_wait3A_76] : memref<20000x128xf32, #tpu.memory_space<hbm>> -> memref<128x128xf32, #tpu.memory_space<hbm>>
        tpu.wait_dma2 semaphore(%arg12 : memref<!tpu.dma_semaphore, #tpu.memory_space<semaphore_mem>>) src(%dma_wait3A_77 : memref<128x128xf32, #tpu.memory_space<hbm>>) dst(%arg9 : memref<128x128xf32, #tpu.memory_space<vmem>>)
        "tpu.region"() ({
          %run_scoped3A = tpu.sem_alloc : memref<!tpu.dma_semaphore, #tpu.memory_space<semaphore_mem>>
          %dma_start3A_97 = arith.constant 0 : i32
          %dma_start3A_98 = tpu.memref_slice %arg8[%mul3A_63, %dma_start3A_97] : memref<32x128xi32, #tpu.memory_space<vmem>> -> memref<1x128xi32, #tpu.memory_space<vmem>>
          %dma_start3A_99 = tpu.memref_squeeze %dma_start3A_98 : memref<1x128xi32, #tpu.memory_space<vmem>> -> memref<128xi32, #tpu.memory_space<vmem>>
          %dma_start3A_100 = arith.constant 0 : i32
          %dma_start3A_101 = arith.constant 0 : i32
          %dma_start3A_102 = tpu.memref_slice %arg11[%dma_start3A_100, %dma_start3A_101] : memref<10128x128xf32, #tpu.memory_space<vmem_shared>> -> memref<10128x128xf32, #tpu.memory_space<vmem_shared>>
          tpu.enqueue_indirect_dma source(%arg9 : memref<128x128xf32, #tpu.memory_space<vmem>>) target(%dma_start3A_102 : memref<10128x128xf32, #tpu.memory_space<vmem_shared>>) offsets(%dma_start3A_99 : memref<128xi32, #tpu.memory_space<vmem>>) semaphore(%run_scoped3A : memref<!tpu.dma_semaphore, #tpu.memory_space<semaphore_mem>>) {add = true}
          %dma_wait3A_103 = arith.constant 0 : i32
          %dma_wait3A_104 = tpu.memref_slice %arg8[%mul3A_63, %dma_wait3A_103] : memref<32x128xi32, #tpu.memory_space<vmem>> -> memref<1x128xi32, #tpu.memory_space<vmem>>
          %dma_wait3A_105 = tpu.memref_squeeze %dma_wait3A_104 : memref<1x128xi32, #tpu.memory_space<vmem>> -> memref<128xi32, #tpu.memory_space<vmem>>
          %dma_wait3A_106 = arith.constant 0 : i32
          %dma_wait3A_107 = arith.constant 0 : i32
          %dma_wait3A_108 = tpu.memref_slice %arg11[%dma_wait3A_106, %dma_wait3A_107] : memref<10128x128xf32, #tpu.memory_space<vmem_shared>> -> memref<10128x128xf32, #tpu.memory_space<vmem_shared>>
          tpu.wait_indirect_dma semaphore(%run_scoped3A : memref<!tpu.dma_semaphore, #tpu.memory_space<semaphore_mem>>) src(%arg9 : memref<128x128xf32, #tpu.memory_space<vmem>>) dst(%dma_wait3A_108 : memref<10128x128xf32, #tpu.memory_space<vmem_shared>>)
          tpu.yield
        }) : () -> ()
        %add3A_78 = arith.constant 2 : i32
        %add3A_79 = arith.addi %mul3A_63, %add3A_78 : i32
        %min3A_80 = arith.constant 31 : i32
        %min3A_81 = arith.minsi %add3A_79, %min3A_80 : i32
        %mul3A_82 = arith.constant 128 : i32
        %mul3A_83 = arith.muli %min3A_81, %mul3A_82 : i32
        %dma_start3A_84 = tpu.memref_slice %arg6[%mul3A_83] : memref<4096xi32, #tpu.memory_space<vmem>> -> memref<128xi32, #tpu.memory_space<vmem>>
        %dma_start3A_85 = arith.constant 0 : i32
        %dma_start3A_86 = arith.constant 0 : i32
        %dma_start3A_87 = tpu.memref_slice %arg2[%dma_start3A_85, %dma_start3A_86] : memref<20000x128xf32, #tpu.memory_space<hbm>> -> memref<20000x128xf32, #tpu.memory_space<hbm>>
        tpu.enqueue_indirect_dma source(%dma_start3A_87 : memref<20000x128xf32, #tpu.memory_space<hbm>>) target(%arg9 : memref<128x128xf32, #tpu.memory_space<vmem>>) offsets(%dma_start3A_84 : memref<128xi32, #tpu.memory_space<vmem>>) semaphore(%arg12 : memref<!tpu.dma_semaphore, #tpu.memory_space<semaphore_mem>>)
        %dma_wait3A_88 = arith.constant 0 : i32
        %dma_wait3A_89 = arith.constant 0 : i32
        %dma_wait3A_90 = tpu.memref_slice %arg2[%dma_wait3A_88, %dma_wait3A_89] : memref<20000x128xf32, #tpu.memory_space<hbm>> -> memref<128x128xf32, #tpu.memory_space<hbm>>
        %dma_wait3A_91 = arith.constant 0 : i32
        %dma_wait3A_92 = arith.constant 0 : i32
        %dma_wait3A_93 = tpu.memref_slice %arg2[%dma_wait3A_91, %dma_wait3A_92] : memref<20000x128xf32, #tpu.memory_space<hbm>> -> memref<128x128xf32, #tpu.memory_space<hbm>>
        tpu.wait_dma2 semaphore(%arg13 : memref<!tpu.dma_semaphore, #tpu.memory_space<semaphore_mem>>) src(%dma_wait3A_93 : memref<128x128xf32, #tpu.memory_space<hbm>>) dst(%arg10 : memref<128x128xf32, #tpu.memory_space<vmem>>)
        %add3A_94 = arith.constant 1 : i32
        %add3A_95 = arith.addi %mul3A_63, %add3A_94 : i32
        "tpu.region"() ({
          %run_scoped3A = tpu.sem_alloc : memref<!tpu.dma_semaphore, #tpu.memory_space<semaphore_mem>>
          %dma_start3A_97 = arith.constant 0 : i32
          %dma_start3A_98 = tpu.memref_slice %arg8[%add3A_95, %dma_start3A_97] : memref<32x128xi32, #tpu.memory_space<vmem>> -> memref<1x128xi32, #tpu.memory_space<vmem>>
          %dma_start3A_99 = tpu.memref_squeeze %dma_start3A_98 : memref<1x128xi32, #tpu.memory_space<vmem>> -> memref<128xi32, #tpu.memory_space<vmem>>
          %dma_start3A_100 = arith.constant 0 : i32
          %dma_start3A_101 = arith.constant 0 : i32
          %dma_start3A_102 = tpu.memref_slice %arg11[%dma_start3A_100, %dma_start3A_101] : memref<10128x128xf32, #tpu.memory_space<vmem_shared>> -> memref<10128x128xf32, #tpu.memory_space<vmem_shared>>
          tpu.enqueue_indirect_dma source(%arg10 : memref<128x128xf32, #tpu.memory_space<vmem>>) target(%dma_start3A_102 : memref<10128x128xf32, #tpu.memory_space<vmem_shared>>) offsets(%dma_start3A_99 : memref<128xi32, #tpu.memory_space<vmem>>) semaphore(%run_scoped3A : memref<!tpu.dma_semaphore, #tpu.memory_space<semaphore_mem>>) {add = true}
          %dma_wait3A_103 = arith.constant 0 : i32
          %dma_wait3A_104 = tpu.memref_slice %arg8[%add3A_95, %dma_wait3A_103] : memref<32x128xi32, #tpu.memory_space<vmem>> -> memref<1x128xi32, #tpu.memory_space<vmem>>
          %dma_wait3A_105 = tpu.memref_squeeze %dma_wait3A_104 : memref<1x128xi32, #tpu.memory_space<vmem>> -> memref<128xi32, #tpu.memory_space<vmem>>
          %dma_wait3A_106 = arith.constant 0 : i32
          %dma_wait3A_107 = arith.constant 0 : i32
          %dma_wait3A_108 = tpu.memref_slice %arg11[%dma_wait3A_106, %dma_wait3A_107] : memref<10128x128xf32, #tpu.memory_space<vmem_shared>> -> memref<10128x128xf32, #tpu.memory_space<vmem_shared>>
          tpu.wait_indirect_dma semaphore(%run_scoped3A : memref<!tpu.dma_semaphore, #tpu.memory_space<semaphore_mem>>) src(%arg10 : memref<128x128xf32, #tpu.memory_space<vmem>>) dst(%dma_wait3A_108 : memref<10128x128xf32, #tpu.memory_space<vmem_shared>>)
          tpu.yield
        }) : () -> ()
        %scan3A_96 = arith.constant 0 : i32
        scf.yield %scan3A_96 : i32
      }
      %scan3A_53 = arith.constant 16 : i32
      %dma_wait3A = arith.constant 0 : i32
      %dma_wait3A_54 = arith.constant 0 : i32
      %dma_wait3A_55 = tpu.memref_slice %arg2[%dma_wait3A, %dma_wait3A_54] : memref<20000x128xf32, #tpu.memory_space<hbm>> -> memref<128x128xf32, #tpu.memory_space<hbm>>
      %dma_wait3A_56 = arith.constant 0 : i32
      %dma_wait3A_57 = arith.constant 0 : i32
      %dma_wait3A_58 = tpu.memref_slice %arg2[%dma_wait3A_56, %dma_wait3A_57] : memref<20000x128xf32, #tpu.memory_space<hbm>> -> memref<128x128xf32, #tpu.memory_space<hbm>>
      tpu.wait_dma2 semaphore(%arg12 : memref<!tpu.dma_semaphore, #tpu.memory_space<semaphore_mem>>) src(%dma_wait3A_58 : memref<128x128xf32, #tpu.memory_space<hbm>>) dst(%arg9 : memref<128x128xf32, #tpu.memory_space<vmem>>)
      %scan3A_59 = arith.constant 0 : i32
      scf.yield %scan3A_59 : i32
    }
    %scan3A_16 = arith.constant 10 : i32
    %barrier3A_17 = arith.constant 0 : index
    tpu.barrier barrier_id(%barrier3A_17)
    %mul3A_18 = arith.constant 624 : i32
    %mul3A_19 = arith.muli %arg1, %mul3A_18 : i32
    %mul3A_20 = arith.constant 624 : i32
    %mul3A_21 = arith.muli %arg1, %mul3A_20 : i32
    %add3A_22 = arith.addi %mul3A_0, %mul3A_21 : i32
    "tpu.region"() ({
      %run_scoped3A = tpu.sem_alloc : memref<!tpu.dma_semaphore, #tpu.memory_space<semaphore_mem>>
      %dma_start3A = arith.constant 0 : i32
      %dma_start3A_24 = tpu.memref_slice %arg5[%add3A_22, %dma_start3A] : memref<20000x128xf32, #tpu.memory_space<hbm>> -> memref<624x128xf32, #tpu.memory_space<hbm>>
      %dma_start3A_25 = arith.constant 0 : i32
      %dma_start3A_26 = tpu.memref_slice %arg11[%mul3A_19, %dma_start3A_25] : memref<10128x128xf32, #tpu.memory_space<vmem_shared>> -> memref<624x128xf32, #tpu.memory_space<vmem_shared>>
      tpu.enqueue_dma source(%dma_start3A_26 : memref<624x128xf32, #tpu.memory_space<vmem_shared>>) target(%dma_start3A_24 : memref<624x128xf32, #tpu.memory_space<hbm>>) target_semaphore(%run_scoped3A : memref<!tpu.dma_semaphore, #tpu.memory_space<semaphore_mem>>)
      %dma_wait3A = arith.constant 0 : i32
      %dma_wait3A_27 = tpu.memref_slice %arg5[%add3A_22, %dma_wait3A] : memref<20000x128xf32, #tpu.memory_space<hbm>> -> memref<624x128xf32, #tpu.memory_space<hbm>>
      %dma_wait3A_28 = arith.constant 0 : i32
      %dma_wait3A_29 = tpu.memref_slice %arg11[%mul3A_19, %dma_wait3A_28] : memref<10128x128xf32, #tpu.memory_space<vmem_shared>> -> memref<624x128xf32, #tpu.memory_space<vmem_shared>>
      tpu.wait_dma2 semaphore(%run_scoped3A : memref<!tpu.dma_semaphore, #tpu.memory_space<semaphore_mem>>) src(%dma_wait3A_29 : memref<624x128xf32, #tpu.memory_space<vmem_shared>>) dst(%dma_wait3A_27 : memref<624x128xf32, #tpu.memory_space<hbm>>)
      tpu.yield
    }) : () -> ()
    %add3A_23 = arith.addi %mul3A_0, %add3A_4 : i32
    "tpu.region"() ({
      %run_scoped3A = tpu.sem_alloc : memref<!tpu.dma_semaphore, #tpu.memory_space<semaphore_mem>>
      %dma_start3A = arith.constant 0 : i32
      %dma_start3A_24 = tpu.memref_slice %arg5[%add3A_23, %dma_start3A] : memref<20000x128xf32, #tpu.memory_space<hbm>> -> memref<8x128xf32, #tpu.memory_space<hbm>>
      %dma_start3A_25 = arith.constant 0 : i32
      %dma_start3A_26 = tpu.memref_slice %arg11[%add3A_4, %dma_start3A_25] : memref<10128x128xf32, #tpu.memory_space<vmem_shared>> -> memref<8x128xf32, #tpu.memory_space<vmem_shared>>
      tpu.enqueue_dma source(%dma_start3A_26 : memref<8x128xf32, #tpu.memory_space<vmem_shared>>) target(%dma_start3A_24 : memref<8x128xf32, #tpu.memory_space<hbm>>) target_semaphore(%run_scoped3A : memref<!tpu.dma_semaphore, #tpu.memory_space<semaphore_mem>>)
      %dma_wait3A = arith.constant 0 : i32
      %dma_wait3A_27 = tpu.memref_slice %arg5[%add3A_23, %dma_wait3A] : memref<20000x128xf32, #tpu.memory_space<hbm>> -> memref<8x128xf32, #tpu.memory_space<hbm>>
      %dma_wait3A_28 = arith.constant 0 : i32
      %dma_wait3A_29 = tpu.memref_slice %arg11[%add3A_4, %dma_wait3A_28] : memref<10128x128xf32, #tpu.memory_space<vmem_shared>> -> memref<8x128xf32, #tpu.memory_space<vmem_shared>>
      tpu.wait_dma2 semaphore(%run_scoped3A : memref<!tpu.dma_semaphore, #tpu.memory_space<semaphore_mem>>) src(%dma_wait3A_29 : memref<8x128xf32, #tpu.memory_space<vmem_shared>>) dst(%dma_wait3A_27 : memref<8x128xf32, #tpu.memory_space<hbm>>)
      tpu.yield
    }) : () -> ()
    return
  }
}

module attributes {stable_mosaic.version = 14 : i64} {
  func.func @_dense0_body(%arg0: memref<2x16x10128xf32, #tpu.memory_space<vmem>>, %arg1: memref<10000x128xf32, #tpu.memory_space<vmem>>, %arg2: memref<10000x128xf32, #tpu.memory_space<vmem>>, %arg3: memref<20000x128xf32, #tpu.memory_space<vmem>>, %arg4: memref<10000xf32, #tpu.memory_space<vmem>>, %arg5: memref<10000xf32, #tpu.memory_space<vmem>>) attributes {dimension_semantics = [], scalar_prefetch = 0 : i64, scratch_operands = 0 : i64, tpu.core_type = #tpu.core_type<tc>} {
    %get3A = arith.constant 0 : index
    %get3A_0 = arith.constant 0 : index
    %get3A_1 = arith.constant 0 : index
    %get3A_2 = vector.load %arg0[%get3A, %get3A_0, %get3A_1] : memref<2x16x10128xf32, #tpu.memory_space<vmem>>, vector<2x16x10128xf32>
    %slice3A = vector.extract_strided_slice %get3A_2 {offsets = [0, 0, 0], sizes = [1, 16, 10128], strides = [1, 1, 1]} : vector<2x16x10128xf32> to vector<1x16x10128xf32>
    %squeeze3A = vector.shape_cast %slice3A : vector<1x16x10128xf32> to vector<16x10128xf32>
    %reduce_sum3A = arith.constant dense<0.000000e+00> : vector<10128xf32>
    %reduce_sum3A_3 = vector.multi_reduction <add>, %squeeze3A, %reduce_sum3A [0] : vector<16x10128xf32> to vector<10128xf32>
    %slice3A_4 = vector.extract_strided_slice %reduce_sum3A_3 {offsets = [0], sizes = [10000], strides = [1]} : vector<10128xf32> to vector<10000xf32>
    %add3A = arith.constant 1.000000e+00 : f32
    %add3A_5 = vector.broadcast %add3A : f32 to vector<10000xf32>
    %add3A_6 = arith.addf %slice3A_4, %add3A_5 : vector<10000xf32>
    %rsqrt3A = math.rsqrt %add3A_6 : vector<10000xf32>
    %slice3A_7 = vector.extract_strided_slice %get3A_2 {offsets = [1, 0, 0], sizes = [1, 16, 10128], strides = [1, 1, 1]} : vector<2x16x10128xf32> to vector<1x16x10128xf32>
    %squeeze3A_8 = vector.shape_cast %slice3A_7 : vector<1x16x10128xf32> to vector<16x10128xf32>
    %reduce_sum3A_9 = arith.constant dense<0.000000e+00> : vector<10128xf32>
    %reduce_sum3A_10 = vector.multi_reduction <add>, %squeeze3A_8, %reduce_sum3A_9 [0] : vector<16x10128xf32> to vector<10128xf32>
    %slice3A_11 = vector.extract_strided_slice %reduce_sum3A_10 {offsets = [0], sizes = [10000], strides = [1]} : vector<10128xf32> to vector<10000xf32>
    %add3A_12 = arith.constant 1.000000e+00 : f32
    %add3A_13 = vector.broadcast %add3A_12 : f32 to vector<10000xf32>
    %add3A_14 = arith.addf %slice3A_11, %add3A_13 : vector<10000xf32>
    %rsqrt3A_15 = math.rsqrt %add3A_14 : vector<10000xf32>
    %swap3A = arith.constant 0 : index
    %swap3A_16 = vector.load %arg4[%swap3A] : memref<10000xf32, #tpu.memory_space<vmem>>, vector<10000xf32>
    tpu.vector_store %arg4[%swap3A], %rsqrt3A {strides = array<i32>} : memref<10000xf32, #tpu.memory_space<vmem>>, vector<10000xf32>,
    %swap3A_17 = arith.constant 0 : index
    %swap3A_18 = vector.load %arg5[%swap3A_17] : memref<10000xf32, #tpu.memory_space<vmem>>, vector<10000xf32>
    tpu.vector_store %arg5[%swap3A_17], %rsqrt3A_15 {strides = array<i32>} : memref<10000xf32, #tpu.memory_space<vmem>>, vector<10000xf32>,
    %get3A_19 = arith.constant 0 : index
    %get3A_20 = arith.constant 0 : index
    %get3A_21 = vector.load %arg1[%get3A_19, %get3A_20] : memref<10000x128xf32, #tpu.memory_space<vmem>>, vector<10000x128xf32>
    %broadcast_in_dim3A = vector.shape_cast %rsqrt3A : vector<10000xf32> to vector<10000x1xf32>
    %mul3A = vector.broadcast %broadcast_in_dim3A : vector<10000x1xf32> to vector<10000x128xf32>
    %mul3A_22 = arith.mulf %get3A_21, %mul3A : vector<10000x128xf32>
    %swap3A_23 = arith.constant 0 : index
    %swap3A_24 = arith.constant 0 : index
    %swap3A_25 = vector.load %arg3[%swap3A_23, %swap3A_24] : memref<20000x128xf32, #tpu.memory_space<vmem>>, vector<10000x128xf32>
    tpu.vector_store %arg3[%swap3A_23, %swap3A_24], %mul3A_22 {strides = array<i32>} : memref<20000x128xf32, #tpu.memory_space<vmem>>, vector<10000x128xf32>,
    %get3A_26 = arith.constant 0 : index
    %get3A_27 = arith.constant 0 : index
    %get3A_28 = vector.load %arg2[%get3A_26, %get3A_27] : memref<10000x128xf32, #tpu.memory_space<vmem>>, vector<10000x128xf32>
    %broadcast_in_dim3A_29 = vector.shape_cast %rsqrt3A_15 : vector<10000xf32> to vector<10000x1xf32>
    %mul3A_30 = vector.broadcast %broadcast_in_dim3A_29 : vector<10000x1xf32> to vector<10000x128xf32>
    %mul3A_31 = arith.mulf %get3A_28, %mul3A_30 : vector<10000x128xf32>
    %swap3A_32 = arith.constant 10000 : index
    %swap3A_33 = arith.constant 0 : index
    %swap3A_34 = vector.load %arg3[%swap3A_32, %swap3A_33] : memref<20000x128xf32, #tpu.memory_space<vmem>>, vector<10000x128xf32>
    tpu.vector_store %arg3[%swap3A_32, %swap3A_33], %mul3A_31 {strides = array<i32>} : memref<20000x128xf32, #tpu.memory_space<vmem>>, vector<10000x128xf32>,
    return
  }
}

module attributes {stable_mosaic.version = 14 : i64} {
  func.func @_dense1_body(%arg0: memref<20000x128xf32, #tpu.memory_space<vmem>>, %arg1: memref<10000xf32, #tpu.memory_space<vmem>>, %arg2: memref<10000xf32, #tpu.memory_space<vmem>>, %arg3: memref<128x128xf32, #tpu.memory_space<vmem>>, %arg4: memref<20000x128xf32, #tpu.memory_space<vmem>>) attributes {dimension_semantics = [], scalar_prefetch = 0 : i64, scratch_operands = 0 : i64, tpu.core_type = #tpu.core_type<tc>} {
    %get3A = arith.constant 0 : index
    %get3A_0 = arith.constant 0 : index
    %get3A_1 = vector.load %arg3[%get3A, %get3A_0] : memref<128x128xf32, #tpu.memory_space<vmem>>, vector<128x128xf32>
    %get3A_2 = arith.constant 0 : index
    %get3A_3 = arith.constant 0 : index
    %get3A_4 = vector.load %arg0[%get3A_2, %get3A_3] : memref<20000x128xf32, #tpu.memory_space<vmem>>, vector<10000x128xf32>
    %get3A_5 = arith.constant 0 : index
    %get3A_6 = vector.load %arg1[%get3A_5] : memref<10000xf32, #tpu.memory_space<vmem>>, vector<10000xf32>
    %broadcast_in_dim3A = vector.shape_cast %get3A_6 : vector<10000xf32> to vector<10000x1xf32>
    %mul3A = vector.broadcast %broadcast_in_dim3A : vector<10000x1xf32> to vector<10000x128xf32>
    %mul3A_7 = arith.mulf %get3A_4, %mul3A : vector<10000x128xf32>
    %dot_general3A = arith.constant dense<0.000000e+00> : vector<10000x128xf32>
    %dot_general3A_8 = tpu.matmul %mul3A_7, %get3A_1, %dot_general3A {dimension_numbers = #tpu.dot_dimension_numbers<[1], [0], [0], [1], [0, 0, 1, 1], [], []>, transpose_lhs_hint = false} : vector<10000x128xf32>, vector<128x128xf32>, vector<10000x128xf32> -> vector<10000x128xf32>
    %max3A = arith.constant 0.000000e+00 : f32
    %max3A_9 = vector.broadcast %max3A : f32 to vector<10000x128xf32>
    %max3A_10 = arith.maximumf %dot_general3A_8, %max3A_9 : vector<10000x128xf32>
    %broadcast_in_dim3A_11 = vector.shape_cast %get3A_6 : vector<10000xf32> to vector<10000x1xf32>
    %mul3A_12 = vector.broadcast %broadcast_in_dim3A_11 : vector<10000x1xf32> to vector<10000x128xf32>
    %mul3A_13 = arith.mulf %max3A_10, %mul3A_12 : vector<10000x128xf32>
    %swap3A = arith.constant 0 : index
    %swap3A_14 = arith.constant 0 : index
    %swap3A_15 = vector.load %arg4[%swap3A, %swap3A_14] : memref<20000x128xf32, #tpu.memory_space<vmem>>, vector<10000x128xf32>
    tpu.vector_store %arg4[%swap3A, %swap3A_14], %mul3A_13 {strides = array<i32>} : memref<20000x128xf32, #tpu.memory_space<vmem>>, vector<10000x128xf32>,
    %get3A_16 = arith.constant 10000 : index
    %get3A_17 = arith.constant 0 : index
    %get3A_18 = vector.load %arg0[%get3A_16, %get3A_17] : memref<20000x128xf32, #tpu.memory_space<vmem>>, vector<10000x128xf32>
    %get3A_19 = arith.constant 0 : index
    %get3A_20 = vector.load %arg2[%get3A_19] : memref<10000xf32, #tpu.memory_space<vmem>>, vector<10000xf32>
    %broadcast_in_dim3A_21 = vector.shape_cast %get3A_20 : vector<10000xf32> to vector<10000x1xf32>
    %mul3A_22 = vector.broadcast %broadcast_in_dim3A_21 : vector<10000x1xf32> to vector<10000x128xf32>
    %mul3A_23 = arith.mulf %get3A_18, %mul3A_22 : vector<10000x128xf32>
    %dot_general3A_24 = arith.constant dense<0.000000e+00> : vector<10000x128xf32>
    %dot_general3A_25 = tpu.matmul %mul3A_23, %get3A_1, %dot_general3A_24 {dimension_numbers = #tpu.dot_dimension_numbers<[1], [0], [0], [1], [0, 0, 1, 1], [], []>, transpose_lhs_hint = false} : vector<10000x128xf32>, vector<128x128xf32>, vector<10000x128xf32> -> vector<10000x128xf32>
    %max3A_26 = arith.constant 0.000000e+00 : f32
    %max3A_27 = vector.broadcast %max3A_26 : f32 to vector<10000x128xf32>
    %max3A_28 = arith.maximumf %dot_general3A_25, %max3A_27 : vector<10000x128xf32>
    %broadcast_in_dim3A_29 = vector.shape_cast %get3A_20 : vector<10000xf32> to vector<10000x1xf32>
    %mul3A_30 = vector.broadcast %broadcast_in_dim3A_29 : vector<10000x1xf32> to vector<10000x128xf32>
    %mul3A_31 = arith.mulf %max3A_28, %mul3A_30 : vector<10000x128xf32>
    %swap3A_32 = arith.constant 10000 : index
    %swap3A_33 = arith.constant 0 : index
    %swap3A_34 = vector.load %arg4[%swap3A_32, %swap3A_33] : memref<20000x128xf32, #tpu.memory_space<vmem>>, vector<10000x128xf32>
    tpu.vector_store %arg4[%swap3A_32, %swap3A_33], %mul3A_31 {strides = array<i32>} : memref<20000x128xf32, #tpu.memory_space<vmem>>, vector<10000x128xf32>,
    return
  }
}

module attributes {stable_mosaic.version = 14 : i64} {
  func.func @_dense2_body(%arg0: memref<20000x128xf32, #tpu.memory_space<vmem>>, %arg1: memref<10000xf32, #tpu.memory_space<vmem>>, %arg2: memref<10000xf32, #tpu.memory_space<vmem>>, %arg3: memref<128x128xf32, #tpu.memory_space<vmem>>, %arg4: memref<20000x128xf32, #tpu.memory_space<vmem>>) attributes {dimension_semantics = [], scalar_prefetch = 0 : i64, scratch_operands = 0 : i64, tpu.core_type = #tpu.core_type<tc>} {
    %get3A = arith.constant 0 : index
    %get3A_0 = arith.constant 0 : index
    %get3A_1 = vector.load %arg3[%get3A, %get3A_0] : memref<128x128xf32, #tpu.memory_space<vmem>>, vector<128x128xf32>
    %get3A_2 = arith.constant 0 : index
    %get3A_3 = arith.constant 0 : index
    %get3A_4 = vector.load %arg0[%get3A_2, %get3A_3] : memref<20000x128xf32, #tpu.memory_space<vmem>>, vector<10000x128xf32>
    %get3A_5 = arith.constant 0 : index
    %get3A_6 = vector.load %arg1[%get3A_5] : memref<10000xf32, #tpu.memory_space<vmem>>, vector<10000xf32>
    %broadcast_in_dim3A = vector.shape_cast %get3A_6 : vector<10000xf32> to vector<10000x1xf32>
    %mul3A = vector.broadcast %broadcast_in_dim3A : vector<10000x1xf32> to vector<10000x128xf32>
    %mul3A_7 = arith.mulf %get3A_4, %mul3A : vector<10000x128xf32>
    %dot_general3A = arith.constant dense<0.000000e+00> : vector<10000x128xf32>
    %dot_general3A_8 = tpu.matmul %mul3A_7, %get3A_1, %dot_general3A {dimension_numbers = #tpu.dot_dimension_numbers<[1], [0], [0], [1], [0, 0, 1, 1], [], []>, transpose_lhs_hint = false} : vector<10000x128xf32>, vector<128x128xf32>, vector<10000x128xf32> -> vector<10000x128xf32>
    %mul3A_9 = arith.mulf %dot_general3A_8, %dot_general3A_8 : vector<10000x128xf32>
    %reduce_sum3A = arith.constant dense<0.000000e+00> : vector<10000xf32>
    %reduce_sum3A_10 = vector.multi_reduction <add>, %mul3A_9, %reduce_sum3A [1] : vector<10000x128xf32> to vector<10000xf32>
    %broadcast_in_dim3A_11 = vector.shape_cast %reduce_sum3A_10 : vector<10000xf32> to vector<10000x1xf32>
    %sqrt3A = math.sqrt %broadcast_in_dim3A_11 : vector<10000x1xf32>
    %max3A = arith.constant 9.99999996E-13 : f32
    %max3A_12 = vector.broadcast %max3A : f32 to vector<10000x1xf32>
    %max3A_13 = arith.maximumf %sqrt3A, %max3A_12 : vector<10000x1xf32>
    %div3A = vector.broadcast %max3A_13 : vector<10000x1xf32> to vector<10000x128xf32>
    %div3A_14 = arith.divf %dot_general3A_8, %div3A : vector<10000x128xf32>
    %swap3A = arith.constant 0 : index
    %swap3A_15 = arith.constant 0 : index
    %swap3A_16 = vector.load %arg4[%swap3A, %swap3A_15] : memref<20000x128xf32, #tpu.memory_space<vmem>>, vector<10000x128xf32>
    tpu.vector_store %arg4[%swap3A, %swap3A_15], %div3A_14 {strides = array<i32>} : memref<20000x128xf32, #tpu.memory_space<vmem>>, vector<10000x128xf32>,
    %get3A_17 = arith.constant 10000 : index
    %get3A_18 = arith.constant 0 : index
    %get3A_19 = vector.load %arg0[%get3A_17, %get3A_18] : memref<20000x128xf32, #tpu.memory_space<vmem>>, vector<10000x128xf32>
    %get3A_20 = arith.constant 0 : index
    %get3A_21 = vector.load %arg2[%get3A_20] : memref<10000xf32, #tpu.memory_space<vmem>>, vector<10000xf32>
    %broadcast_in_dim3A_22 = vector.shape_cast %get3A_21 : vector<10000xf32> to vector<10000x1xf32>
    %mul3A_23 = vector.broadcast %broadcast_in_dim3A_22 : vector<10000x1xf32> to vector<10000x128xf32>
    %mul3A_24 = arith.mulf %get3A_19, %mul3A_23 : vector<10000x128xf32>
    %dot_general3A_25 = arith.constant dense<0.000000e+00> : vector<10000x128xf32>
    %dot_general3A_26 = tpu.matmul %mul3A_24, %get3A_1, %dot_general3A_25 {dimension_numbers = #tpu.dot_dimension_numbers<[1], [0], [0], [1], [0, 0, 1, 1], [], []>, transpose_lhs_hint = false} : vector<10000x128xf32>, vector<128x128xf32>, vector<10000x128xf32> -> vector<10000x128xf32>
    %mul3A_27 = arith.mulf %dot_general3A_26, %dot_general3A_26 : vector<10000x128xf32>
    %reduce_sum3A_28 = arith.constant dense<0.000000e+00> : vector<10000xf32>
    %reduce_sum3A_29 = vector.multi_reduction <add>, %mul3A_27, %reduce_sum3A_28 [1] : vector<10000x128xf32> to vector<10000xf32>
    %broadcast_in_dim3A_30 = vector.shape_cast %reduce_sum3A_29 : vector<10000xf32> to vector<10000x1xf32>
    %sqrt3A_31 = math.sqrt %broadcast_in_dim3A_30 : vector<10000x1xf32>
    %max3A_32 = arith.constant 9.99999996E-13 : f32
    %max3A_33 = vector.broadcast %max3A_32 : f32 to vector<10000x1xf32>
    %max3A_34 = arith.maximumf %sqrt3A_31, %max3A_33 : vector<10000x1xf32>
    %div3A_35 = vector.broadcast %max3A_34 : vector<10000x1xf32> to vector<10000x128xf32>
    %div3A_36 = arith.divf %dot_general3A_26, %div3A_35 : vector<10000x128xf32>
    %swap3A_37 = arith.constant 10000 : index
    %swap3A_38 = arith.constant 0 : index
    %swap3A_39 = vector.load %arg4[%swap3A_37, %swap3A_38] : memref<20000x128xf32, #tpu.memory_space<vmem>>, vector<10000x128xf32>
    tpu.vector_store %arg4[%swap3A_37, %swap3A_38], %div3A_36 {strides = array<i32>} : memref<20000x128xf32, #tpu.memory_space<vmem>>, vector<10000x128xf32>,
    return
  }
}

</mosaic_0001>

<sc_bundles>
// kernel: kernel.12.cloned.1.call-start
scs
__scs_entry_jumppad:
0x0: {  	(pc) =	sbr.rel $0x88, $3  }
0x1: {  	(tag) =	ssettag $0x0;
	lr =	simm.s32 $0x1  }
0x2: {  	[smem:$0x3F99] =	sst lr;
	_ =	strace $0xD0000000  }
0x3: {  	_ = 	snop  }
0x4: {  	_ = 	snop  }
0x5: {  	_ = 	snop  }
0x6: {  	_ = 	snop  }
0x7: {  	_ = 	snop  }
__scs_overlays_trampoline_lowered:
0x8: {  	[smem:$0x3FA8] =	sst s0  }
0x9: {  	[smem:$0x3FA9] =	sst s1  }
0xa: {  	[smem:$0x3FAA] =	sst s2  }
0xb: {  	[smem:$0x3FAB] =	sst s3  }
0xc: {  	[smem:$0x3FAC] =	sst s4  }
0xd: {  	[smem:$0x3FAD] =	sst s5  }
0xe: {  	[smem:$0x3FAE] =	sst s6  }
0xf: {  	[smem:$0x3FAF] =	sst s7  }
0x10: {  	[smem:$0x3FB0] =	sst s8  }
0x11: {  	[smem:$0x3FB1] =	sst s9;
	s0 =	simm.s32 @!p0 $0x0  }
0x12: {  	s1 =	sld [smem:$0x3F97];
	s0 =	simm.s32 @p0 $0x1  }
0x13: {  	[smem:$0x3FB2] =	sst s0;
	s0 =	simm.s32 @!p1 $0x0  }
0x14: {  	s2 =	sld [smem:$0x3F96];
	s0 =	simm.s32 @p1 $0x1  }
0x15: {  	[smem:$0x3FB3] =	sst s0;
	s0 =	simm.s32 @!p2 $0x0  }
0x16: {  	s3 =	sld [smem:$0x3FDB];
	s0 =	simm.s32 @p2 $0x1  }
0x17: {  	s4 =	simm.s32 $0x1BF5;
	[smem:$0x3FB5] =	sst s0  }
0x18: {  	s0 =	sld [smem:$0x3F98];
	_ =	swait.ge [sflag:s4], $0x0  }
0x19: {  	s7 =	sld [smem:$0x3F99]  }
0x1a: {  	s8 =	sadd.s32 $0xFFFFE003, lr  }
0x1b: {  	s9 =	sadd.s32 $0xFFFFFEF7, lr;
	s5 =	simm.s32 $0xFFFFFFFF;
	p2 =	slt.u32 s8, $0xFFFFF086  }
0x1c: {  	p1 =	slt.u32 s9, $0xF7A;
	s5 =	simm.s32 @!p2 $0x0  }
0x1d: {  	s5 =	simm.s32 @p1 $0x1;
	p0 =	seq.s32 s7, s2  }
0x1e: {  	s7 =	smul.u32 @!p0 $0xF7A, s2;
	p2 =	seq.s32 @!p0 s5, $0x0  }
0x1f: {  	s9 =	smul.u32 $0xF7A, s1;
	s8 =	simm.s32 @!p0 $0x1BF5;
	p2 =	por !p2, p0  }
0x20: {  	[sflag:s8] =	ssyncset.s32 @!p0 $0xFFFFF086;
	s6 =	sadd.s32 @!p0 s3, s7;
	s7 =	simm.s32 @!p0 $0x108  }
0x21: {  	s3 =	sadd.s32 s3, s9;
	s6 =	sadd.s32 @!p0 $0x88, s6;
	s7 =	simm.s32 @p2 $0x1082  }
0x22: {  	[simem:s7], [sflag:s8] =	dma.local @!p0 [hbm:s6], $0xF7A  }
0x23: {  	s9 =	sor.u32 $0xD0000000, s2;
	s6 =	simm.s32 $0x108;
	_ =	swait.ge @!p0 [sflag:s8], $0x0  }
0x24: {  	s3 =	sadd.s32 $0x88, s3;
	s6 =	simm.s32 @!p1 $0x1082;
	[sflag:s4] =	ssyncset.s32 $0xFFFFF086  }
0x25: {  	[simem:s6], [sflag:s4] =	dma.local [hbm:s3], $0xF7A  }
0x26: {  	[smem:$0x3F99] =	sst s1;
	(tag) =	ssettag s2;
	_ =	strace s9  }
0x27: {  	s1 =	sld [smem:$0x3FA9]  }
0x28: {  	s2 =	sld [smem:$0x3FAA]  }
0x29: {  	s4 =	sld [smem:$0x3FAC]  }
0x2a: {  	p0 =	seq.s32 s5, $0x0;
	s5 =	sld [smem:$0x3FAD]  }
0x2b: {  	s6 =	sld [smem:$0x3FAE]  }
0x2c: {  	s7 =	sld [smem:$0x3FAF]  }
0x2d: {  	s3 =	simm.s32 $0x108;
	s8 =	sld [smem:$0x3FB0]  }
0x2e: {  	s3 =	simm.s32 @!p0 $0x1082;
	s9 =	sld [smem:$0x3FB1]  }
0x2f: {  	lr =	sadd.s32 s0, s3;
	s0 =	sld [smem:$0x3FA8]  }
0x30: {  	s3 =	sld [smem:$0x3FAB]  }
0x31: {  	[smem:$0x3FB4] =	sst s10  }
0x32: {  	s10 =	sld [smem:$0x3FB2];
	_ =	sdelay $0x3  }
0x33: {  	p0 =	seq.s32 s10, $0x1;
	s10 =	sld [smem:$0x3FB4];
	_ =	sdelay $0x3  }
0x34: {  	[smem:$0x3FB4] =	sst s10  }
0x35: {  	s10 =	sld [smem:$0x3FB3];
	_ =	sdelay $0x3  }
0x36: {  	p1 =	seq.s32 s10, $0x1;
	s10 =	sld [smem:$0x3FB4];
	_ =	sdelay $0x3  }
0x37: {  	[smem:$0x3FB4] =	sst s10  }
0x38: {  	s10 =	sld [smem:$0x3FB5]  }
0x39: {  	_ = 	snop;
	(pc) =	sbr.ind lr, $3  }
0x3a: {  	_ = 	snop  }
0x3b: {  	_ = 	snop  }
0x3c: {  	p2 =	seq.s32 s10, $0x1;
	s10 =	sld [smem:$0x3FB4]  }
0x3d: {  	_ =	shalt  }
0x3e: {  	_ =	shalt  }
0x3f: {  	_ =	shalt  }
0x40: {  	_ =	shalt  }
0x41: {  	_ =	shalt  }
0x42: {  	_ =	shalt  }
0x43: {  	_ =	shalt  }
0x44: {  	_ =	shalt  }
0x45: {  	_ =	shalt  }
0x46: {  	_ =	shalt  }
0x47: {  	_ =	shalt  }
0x48: {  	_ =	shalt  }
0x49: {  	_ =	shalt  }
0x4a: {  	_ =	shalt  }
0x4b: {  	_ =	shalt  }
0x4c: {  	_ =	shalt  }
0x4d: {  	_ =	shalt  }
0x4e: {  	_ =	shalt  }
0x4f: {  	_ =	shalt  }
0x50: {  	_ =	shalt  }
0x51: {  	_ =	shalt  }
0x52: {  	_ =	shalt  }
0x53: {  	_ =	shalt  }
0x54: {  	_ =	shalt  }
0x55: {  	_ =	shalt  }
0x56: {  	_ =	shalt  }
0x57: {  	_ =	shalt  }
0x58: {  	_ =	shalt  }
0x59: {  	_ =	shalt  }
0x5a: {  	_ =	shalt  }
0x5b: {  	_ =	shalt  }
0x5c: {  	_ =	shalt  }
0x5d: {  	_ =	shalt  }
0x5e: {  	_ =	shalt  }
0x5f: {  	_ =	shalt  }
0x60: {  	_ =	shalt  }
0x61: {  	_ =	shalt  }
0x62: {  	_ =	shalt  }
0x63: {  	_ =	shalt  }
0x64: {  	_ =	shalt  }
0x65: {  	_ =	shalt  }
0x66: {  	_ =	shalt  }
0x67: {  	_ =	shalt  }
0x68: {  	_ =	shalt  }
0x69: {  	_ =	shalt  }
0x6a: {  	_ =	shalt  }
0x6b: {  	_ =	shalt  }
0x6c: {  	_ =	shalt  }
0x6d: {  	_ =	shalt  }
0x6e: {  	_ =	shalt  }
0x6f: {  	_ =	shalt  }
0x70: {  	_ =	shalt  }
0x71: {  	_ =	shalt  }
0x72: {  	_ =	shalt  }
0x73: {  	_ =	shalt  }
0x74: {  	_ =	shalt  }
0x75: {  	_ =	shalt  }
0x76: {  	_ =	shalt  }
0x77: {  	_ =	shalt  }
0x78: {  	_ =	shalt  }
0x79: {  	_ =	shalt  }
0x7a: {  	_ =	shalt  }
0x7b: {  	_ =	shalt  }
0x7c: {  	_ =	shalt  }
0x7d: {  	_ =	shalt  }
0x7e: {  	_ =	shalt  }
0x7f: {  	_ =	shalt  }
0x80: {  	_ =	shalt  }
0x81: {  	_ =	shalt  }
0x82: {  	_ =	shalt  }
0x83: {  	_ =	shalt  }
0x84: {  	_ =	shalt  }
0x85: {  	_ =	shalt  }
0x86: {  	_ =	shalt  }
0x87: {  	_ =	shalt  }
.Lfunc_end0:
.L_simem_size_0:
called_computation.1_lowered:
.L_overlay_start_0:
0x88: {  	s2 =	sld [smem:$0x3FD9]  }
0x89: {  	s3 =	sld [smem:$0x3FFE];
	_ =	sdelay $0x1  }
0x8a: {  	s1 =	srdreg.scid  }
0x8b: {  	s0 =	sand.u32 $0x1, s1  }
0x8c: {  	s16 =	sshll.u32 s0, $0xA;
	s2 =	sadd.s32 s3, s2  }
0x8d: {  	s2 =	sadd.s32 s2, s16  }
0x8e: {  	[smem:$0x3FC0] =	sst s2  }
0x8f: {  	_ = 	snop  }
0x90: {  	(tm) =	ssettm $0x1  }
0x91: {  	s17 =	sld [smem:$0x3FFB];
	_ =	sdelay $0x3  }
0x92: {  	_ =	strace s17  }
0x93: {  	s2 =	sld [smem:$0x3FFC];
	_ =	sdelay $0x3  }
0x94: {  	_ =	strace s2  }
0x95: {  	s2 =	sld [smem:$0x3FFD];
	_ =	sdelay $0x3  }
0x96: {  	_ =	strace s2  }
0x97: {  	_ =	strace $0x8FFFFFFF  }
0x98: {  	s18 =	sld [smem:$0x3FDB];
	_ =	sdelay $0x1  }
0x99: {  	s19 =	simm.s32 $_scs_section_size  }
0x9a: {  	s4 =	simm.s32 $_size__tile_overlayer_lowered;
	s5 =	simm.s32 $_tile_overlayer_lowered  }
0x9b: {  	s22 =	simm.s32 $0x1BFF;
	s21 =	sshll.u32 s5, $0x1;
	s2 =	sadd.s32 s19, s18  }
0x9c: {  	s6 =	simm.s32 $0x0;
	s20 =	sshll.u32 s4, $0x1;
	s4 =	sadd.s32 s21, s2  }
0x9d: {  	[timem:s6], [sflag:s22] =	dma.local [hbm:s4], s20  }
0x9e: {  	_ =	swait.ge [sflag:s22], s20  }
0x9f: {  	s3 =	ssub.s32 $0x0, s20;
	[sflag:s22] =	ssyncset.done $0x0  }
0xa0: {  	[sflag:s22] =	ssyncadd.s32 s3;
	_ =	sdelay $0x1  }
0xa1: {  	s23 =	simm.s32 $0x1B8B  }
0xa2: {  	_ =	swait.ge [sflag:s23], $0x1  }
0xa3: {  	[sflag:s23] =	ssyncset.done $0x0  }
0xa4: {  	s25 =	simm.s32 $0x1B8E;
	s24 =	sld [smem:$0x3FFE];
	[sflag:s23] =	ssyncadd.s32 $0xFFFFFFFF  }
0xa5: {  	s26 =	simm.s32 $execute0_lowered;
	[smem:$0x3FD2] =	sst s25  }
0xa6: {  	s4 =	sshll.u32 s26, $0x1;
	_ =	strace $0x80000049;
	[dreg:$0x1] =	wrdreg $0xFFFFFFFF  }
0xa7: {  	s28 =	simm.s32 $_size_execute0_lowered;
	s2 =	sadd.s32 s2, s4;
	[dreg:$0x0] =	wrdreg $0x0  }
0xa8: {  	s4 =	sshll.u32 s28, $0x1;
	[dreg:$0x2] =	wrdreg s2  }
0xa9: {  	[dreg:$0x3] =	wrdreg s4  }
0xaa: {  	[dreg:$0x4] =	wrdreg $0xC0  }
0xab: {  	_ =	task [dreg:s6], $0x5FFFF  }
0xac: {  	[dreg:$0x1] =	wrdreg $0xFFFFFFFF  }
0xad: {  	[dreg:$0x0] =	wrdreg $0x60  }
0xae: {  	[dreg:$0x2] =	wrdreg s24  }
0xaf: {  	[dreg:$0x3] =	wrdreg $0xB0000  }
0xb0: {  	[dreg:$0x4] =	wrdreg $0x9  }
0xb1: {  	_ =	task.clear_ibuf [dreg:s6], $0x5FFFF;
	_ =	strace $0x90000049  }
0xb2: {  	s29 =	simm.s32 $0x9;
	_ =	strace $0x8000004B  }
0xb3: {  	_ =	swait.ge [sflag:s29], $0x1  }
0xb4: {  	[sflag:s29] =	ssyncadd.s32 $0xFFFFFFFF  }
0xb5: {  	_ =	strace $0x9000004B  }
0xb6: {  	_ =	sfence  }
0xb7: {  	s30 =	sld [smem:$0x0];
	_ =	sdelay $0x2  }
0xb8: {  	s31 =	sshll.u32 s1, $0xD;
	s1 =	sshrl.u32 s1, $0x2  }
0xb9: {  	s3 =	sand.u32 $0x4000, s31;
	s1 =	sadd.s32 s1, s30  }
0xba: {  	s0 =	sor.u32 s3, s0;
	s1 =	sshll.u32 s1, $0x11  }
0xbb: {  	s0 =	sor.u32 s1, s0  }
0xbc: {  	s0 =	sadd.s32 $0x8F2B, s0  }
0xbd: {  	[sflag:s0] =	ssyncadd.remote.s32 $0x1  }
0xbe: {  	_ =	sfence.sel $0xFFFF  }
0xbf: {  	[dreg:$0x0] =	wrdreg $0xFFFFFFFF;
	(pc) =	sbr.abs _section_cstart, $3  }
0xc0: {  	[dreg:$0x1] =	wrdreg $0xFFFFFFFF  }
0xc1: {  	_ =	task.clear_ibuf [dreg:s6], $0x2FFFF;
	_ =	strace $0x9FFFFFFF  }
0xc2: {  	(tm) =	ssettm $0x7FFFFFFF  }
0xc3: {  	_ =	shalt  }
tec
execute0_lowered:
.L_overlay_start_1:
0x0: {  	(tag) =	ssettag $0x1  }
0x1: {  	s7 =	rddreg [dreg:$0x0]  }
0x2: {  	s1 =	rddreg [dreg:$0x1];
	s3 =	simm.s32 $0x0  }
0x3: {  	s4 =	srdreg.scid;
	s2 =	stileid.u32;
	s19 =	simm.s32 $0x3000  }
0x4: {  	s20 =	simm.s32 $0x7000;
	s21 =	simm.s32 $0x1;
	s22 =	simm.s32 $0x2  }
0x5: {  	s23 =	simm.s32 $0xF80;
	s24 =	simm.s32 $0x2F00;
	s25 =	simm.s32 $0x2F80  }
0x6: {  	[smem:$0x7FF] =	sst s3;
	s8 =	sand.u32 $0x1, s4;
	s9 =	smul.u32 $0x4E000, s2  }
0x7: {  	s4 =	sadd.s32 $0x53200, s7;
	s5 =	sadd.s32 $0x2B200, s7;
	s12 =	smul.u32 $0x270, s2  }
0x8: {  	s6 =	sadd.s32 $0x3200, s7;
	s13 =	sadd.s32 $0xA1400, s7;
	s16 =	smul.u32 $0xA000, s2  }
0x9: {  	p0 =	seq.s32 s2, $0x0;
	s31 =	sshll.u32 s2, $0x6;
	s10 =	smul.u32 $0x2710, s8  }
0xa: {  	_ =	strace $0x8000004A;
	s11 =	ssub.s32 $0x2, s8;
	s30 =	smul.u32 $0xA0000, s8  }
0xb: {  	s8 =	sor.u32 $0x1C03, s31;
	s26 =	sshrl.u32 s11, $0x1;
	s9 =	sshrl.u32 s9, $0x2  }
0xc: {  	s15 =	sadd.s32 s9, s1;
	s28 =	sadd.s32 s12, s10;
	s9 =	simm.s32 $0x2700  }
0xd: {  	s14 =	ssub.s32 s11, s26;
	s29 =	sshll.u32 s28, $0x4;
	s9 =	simm.s32 @!p0 $0x2708  }
0xe: {  	s7 =	sadd.s32 s4, s29;
	s10 =	sadd.s32 s10, s9;
	s9 =	sshll.u32 s9, $0x7  }
0xf: {  	s11 =	sadd.s32 s13, s29;
	s17 =	sshll.u32 s10, $0x4;
	s18 =	sadd.s32 s9, s1  }
0x10: {  	s10 =	sadd.s32 s16, s30;
	s9 =	sadd.s32 s4, s17;
	s12 =	sadd.s32 s13, s17  }
0x11: {  	s13 =	smax.u32 s14, $0x1;
	s14 =	sshrl.u32 s15, $0x3;
	s15 =	simm.s32 $0x3  }
0x12: {  	s16 =	sshrl.u32 s18, $0x3;
	s17 =	simm.s32 $0x1000;
	s18 =	simm.s32 $0x80  }
.LBB2_1:
0x13: {  	[spmem:s14], [sflag:s8] =	dma.local [hbm:s7], $0x2700  }
0x14: {  	_ =	swait.ge [sflag:s15], $0x2700  }
0x15: {  	[sflag:s15] =	ssyncset.done $0x0  }
0x16: {  	[sflag:s15] =	ssyncadd.s32 $0xFFFFD900  }
0x17: {  	[spmem:s16], [sflag:s8] =	dma.local [hbm:s9], $0x80  }
0x18: {  	_ =	swait.ge [sflag:s15], $0x80  }
0x19: {  	[sflag:s15] =	ssyncset.done $0x0  }
0x1a: {  	[sflag:s15] =	ssyncadd.s32 $0xFFFFFF80  }
0x1b: {  	s26 =	simm.s32 $0x0;
	[bflag:$0x0] =	sbarrier.arrive $0xFFFF  }
.LBB2_2:
0x1c: {  	s28 =	sshll.u32 s26, $0xC  }
0x1d: {  	s28 =	sadd.s32 s28, s10  }
0x1e: {  	s28 =	sshrl.u32 s28, $0x3  }
0x1f: {  	s30 =	simm.s32 $0x0;
	s29 =	sadd.s32 s5, s28  }
0x20: {  	[tilespmem:s30], [sflag:$0x3] =	stream.linear.gather [hbm4b:s29+s30], $0x1000, $0x38;
	[tilespmem:$0x1EC80] =	vst v63  }
0x21: {  	_ =	swait.ge [sflag:s15], $0x1000  }
0x22: {  	[sflag:s15] =	ssyncset.done $0x0  }
0x23: {  	s28 =	sadd.s32 s6, s28;
	[sflag:s15] =	ssyncadd.s32 $0xFFFFF000  }
0x24: {  	[tilespmem:s17], [sflag:$0x3] =	stream.linear.gather [hbm4b:s28+s30], $0x1000, $0x38;
	[tilespmem:$0x1EC80] =	vst v63  }
0x25: {  	_ =	swait.ge [sflag:s15], $0x1000  }
0x26: {  	[sflag:s15] =	ssyncset.done $0x0  }
0x27: {  	s29 =	simm.s32 $0x0;
	[sflag:s15] =	ssyncadd.s32 $0xFFFFF000  }
0x28: {  	v0 =	vld [tilespmem:s29+$0x1000]  }
0x29: {  	s28 =	sand.u32 $0x3E00, s30  }
0x2a: {  	s30 =	sand.u32 $0x70, s30;
	s31 =	sshrl.u32 s28, $0x2  }
0x2b: {  	s28 =	simm.s32 $0x10;
	s30 =	sor.u32 s30, s31;
	s29 =	simm.s32 $0x40  }
.LBB2_3:
0x2c: {  	s31 =	sshra.s32 s29, $0x2  }
0x2d: {  	p0 =	sne.s32 s28, $0xFF0;
	[tilespmem:s30+$0x2000] =	vst v0;
	s30 =	smov.u32 s28;
	s28 =	sadd.s32 $0x10, s28  }
.Ltmp0:
0x2e: {  	v0 =	vld [tilespmem:s31+$0x1000];
	(pc) =	sbr.rel @p0 .LBB2_3-.Ltmp0, $4  }
0x2f: {  	_ = 	snop  }
0x30: {  	s31 =	sand.u32 $0x3E00, s29  }
0x31: {  	s30 =	sand.u32 $0x70, s30;
	s31 =	sshrl.u32 s31, $0x2  }
0x32: {  	s29 =	sadd.s32 $0x40, s29;
	s30 =	sor.u32 s30, s31  }
0x33: {  	[tilespmem:s30+$0x2000] =	vst v0;
	s28 =	simm.s32 $0x0  }
0x34: {  	[tilespmem:s19], [sflag:$0x1] =	stream.indirect.gather [hbm4b:s4+s18], $0x80, s28, s18, $0xb8;
	[tilespmem:$0x1EC80] =	vst v63  }
0x35: {  	s28 =	simm.s32 $0x80  }
0x36: {  	[tilespmem:s20], [sflag:$0x2] =	stream.indirect.gather [hbm4b:s4+s18], $0x80, s28, s18, $0xb8;
	[tilespmem:$0x1EC80] =	vst v63  }
0x37: {  	_ =	swait.ge [sflag:s21], $0x4000  }
0x38: {  	[sflag:s21] =	ssyncset.done $0x0  }
0x39: {  	s28 =	simm.s32 $0x2000;
	[sflag:s21] =	ssyncadd.s32 $0xFFFFC000  }
0x3a: {  	[spmem:s1] =	stream.indirect.scatter.add.f32 [tilespmem:s19], [sflag:$0x3], $0x80, s28, s18, $0xb8;
	[tilespmem:$0x1EC80] =	vst v63  }
0x3b: {  	_ =	swait.ge [sflag:s15], $0x4000  }
0x3c: {  	[sflag:s15] =	ssyncset.done $0x0  }
0x3d: {  	s28 =	simm.s32 $0x100;
	[sflag:s15] =	ssyncadd.s32 $0xFFFFC000  }
0x3e: {  	[tilespmem:s19], [sflag:$0x1] =	stream.indirect.gather [hbm4b:s4+s18], $0x80, s28, s18, $0xb8;
	[tilespmem:$0x1EC80] =	vst v63  }
0x3f: {  	_ =	swait.ge [sflag:s22], $0x4000  }
0x40: {  	[sflag:s22] =	ssyncset.done $0x0  }
0x41: {  	s28 =	simm.s32 $0x2080;
	[sflag:s22] =	ssyncadd.s32 $0xFFFFC000  }
0x42: {  	[spmem:s1] =	stream.indirect.scatter.add.f32 [tilespmem:s20], [sflag:$0x3], $0x80, s28, s18, $0xb8;
	[tilespmem:$0x1EC80] =	vst v63  }
0x43: {  	_ =	swait.ge [sflag:s15], $0x4000  }
0x44: {  	s29 =	simm.s32 $0x800;
	s28 =	simm.s32 $0x100;
	[sflag:s15] =	ssyncset.done $0x0  }
.LBB2_5:
0x45: {  	s30 =	sadd.s32 $0x80, s28  }
0x46: {  	[sflag:s15] =	ssyncadd.s32 $0xFFFFC000;
	s31 =	smov.u32 s29;
	s0 =	sadd.s32 $0x400, s29  }
0x47: {  	[tilespmem:s20], [sflag:$0x2] =	stream.indirect.gather [hbm4b:s4+s18], $0x80, s30, s18, $0xb8;
	[tilespmem:$0x1EC80] =	vst v63  }
0x48: {  	p0 =	sne.s32 s29, $0x3800;
	_ =	swait.ge [sflag:s21], $0x4000  }
0x49: {  	[sflag:s21] =	ssyncset.done $0x0  }
0x4a: {  	s29 =	sadd.s32 $0x2000, s28;
	[sflag:s21] =	ssyncadd.s32 $0xFFFFC000  }
0x4b: {  	[spmem:s1] =	stream.indirect.scatter.add.f32 [tilespmem:s19], [sflag:$0x3], $0x80, s29, s18, $0xb8;
	[tilespmem:$0x1EC80] =	vst v63  }
0x4c: {  	_ =	swait.ge [sflag:s15], $0x4000  }
0x4d: {  	[sflag:s15] =	ssyncset.done $0x0  }
0x4e: {  	s29 =	sadd.s32 $0x100, s28;
	[sflag:s15] =	ssyncadd.s32 $0xFFFFC000  }
0x4f: {  	[tilespmem:s19], [sflag:$0x1] =	stream.indirect.gather [hbm4b:s4+s18], $0x80, s29, s18, $0xb8;
	[tilespmem:$0x1EC80] =	vst v63  }
0x50: {  	_ =	swait.ge [sflag:s22], $0x4000  }
.Ltmp1:
0x51: {  	[sflag:s22] =	ssyncset.done $0x0;
	(pc) =	sbr.rel @p0 .LBB2_5-.Ltmp1, $4  }
0x52: {  	s28 =	sadd.s32 $0x2080, s28;
	[sflag:s22] =	ssyncadd.s32 $0xFFFFC000  }
0x53: {  	[spmem:s1] =	stream.indirect.scatter.add.f32 [tilespmem:s20], [sflag:$0x3], $0x80, s28, s18, $0xb8;
	[tilespmem:$0x1EC80] =	vst v63  }
0x54: {  	_ =	swait.ge [sflag:s15], $0x4000  }
0x55: {  	s29 =	smov.u32 s0;
	s28 =	sshra.s32 s31, $0x2;
	[sflag:s15] =	ssyncset.done $0x0  }
0x56: {  	s0 =	sadd.s32 $0x80, s28;
	[sflag:s15] =	ssyncadd.s32 $0xFFFFC000  }
0x57: {  	[tilespmem:s20], [sflag:$0x2] =	stream.indirect.gather [hbm4b:s4+s18], $0x80, s0, s18, $0xb8;
	[tilespmem:$0x1EC80] =	vst v63  }
0x58: {  	_ =	swait.ge [sflag:s21], $0x4000  }
0x59: {  	[sflag:s21] =	ssyncset.done $0x0  }
0x5a: {  	s29 =	sadd.s32 $0x2000, s28;
	[sflag:s21] =	ssyncadd.s32 $0xFFFFC000  }
0x5b: {  	[spmem:s1] =	stream.indirect.scatter.add.f32 [tilespmem:s19], [sflag:$0x3], $0x80, s29, s18, $0xb8;
	[tilespmem:$0x1EC80] =	vst v63  }
0x5c: {  	_ =	swait.ge [sflag:s15], $0x4000  }
0x5d: {  	[sflag:s15] =	ssyncset.done $0x0  }
0x5e: {  	s30 =	sadd.s32 $0x100, s28;
	[sflag:s15] =	ssyncadd.s32 $0xFFFFC000  }
0x5f: {  	[tilespmem:s19], [sflag:$0x1] =	stream.indirect.gather [hbm4b:s4+s18], $0x80, s30, s18, $0xb8;
	[tilespmem:$0x1EC80] =	vst v63  }
0x60: {  	_ =	swait.ge [sflag:s22], $0x4000  }
0x61: {  	[sflag:s22] =	ssyncset.done $0x0  }
0x62: {  	s31 =	sadd.s32 $0x2080, s28;
	[sflag:s22] =	ssyncadd.s32 $0xFFFFC000  }
0x63: {  	[spmem:s1] =	stream.indirect.scatter.add.f32 [tilespmem:s20], [sflag:$0x3], $0x80, s31, s18, $0xb8;
	[tilespmem:$0x1EC80] =	vst v63  }
0x64: {  	_ =	swait.ge [sflag:s15], $0x4000  }
0x65: {  	[sflag:s15] =	ssyncset.done $0x0  }
0x66: {  	[sflag:s15] =	ssyncadd.s32 $0xFFFFC000  }
0x67: {  	[tilespmem:s20], [sflag:$0x2] =	stream.indirect.gather [hbm4b:s4+s18], $0x80, s23, s18, $0xb8;
	[tilespmem:$0x1EC80] =	vst v63  }
0x68: {  	_ =	swait.ge [sflag:s21], $0x4000  }
0x69: {  	[sflag:s21] =	ssyncset.done $0x0  }
0x6a: {  	[sflag:s21] =	ssyncadd.s32 $0xFFFFC000  }
0x6b: {  	[spmem:s1] =	stream.indirect.scatter.add.f32 [tilespmem:s19], [sflag:$0x3], $0x80, s24, s18, $0xb8;
	[tilespmem:$0x1EC80] =	vst v63  }
0x6c: {  	_ =	swait.ge [sflag:s15], $0x4000  }
0x6d: {  	[sflag:s15] =	ssyncset.done $0x0  }
0x6e: {  	[sflag:s15] =	ssyncadd.s32 $0xFFFFC000  }
0x6f: {  	[tilespmem:s19], [sflag:$0x1] =	stream.indirect.gather [hbm4b:s4+s18], $0x80, s23, s18, $0xb8;
	[tilespmem:$0x1EC80] =	vst v63  }
0x70: {  	_ =	swait.ge [sflag:s22], $0x4000  }
0x71: {  	[sflag:s22] =	ssyncset.done $0x0  }
0x72: {  	s26 =	sadd.s32 $0x1, s26;
	[sflag:s22] =	ssyncadd.s32 $0xFFFFC000  }
0x73: {  	[spmem:s1] =	stream.indirect.scatter.add.f32 [tilespmem:s20], [sflag:$0x3], $0x80, s25, s18, $0xb8;
	[tilespmem:$0x1EC80] =	vst v63  }
0x74: {  	p0 =	sne.s32 s26, $0xA;
	_ =	swait.ge [sflag:s15], $0x4000  }
.Ltmp2:
0x75: {  	[sflag:s15] =	ssyncset.done $0x0;
	(pc) =	sbr.rel @p0 .LBB2_2-.Ltmp2, $4  }
0x76: {  	[sflag:s15] =	ssyncadd.s32 $0xFFFFC000  }
0x77: {  	_ =	swait.ge [sflag:s21], $0x4000  }
0x78: {  	[sflag:s21] =	ssyncset.done $0x0  }
0x79: {  	[sflag:s21] =	ssyncadd.s32 $0xFFFFC000  }
0x7a: {  	[bflag:$0x0] =	sbarrier.arrive $0xFFFF  }
0x7b: {  	[hbm:s11], [sflag:s8] =	dma.local [spmem:s14], $0x2700  }
0x7c: {  	s3 =	sadd.s32 $0x1, s3;
	_ =	swait.ge [sflag:s15], $0x2700  }
0x7d: {  	p0 =	sne.s32 s3, s13;
	[sflag:s15] =	ssyncset.done $0x0  }
.Ltmp3:
0x7e: {  	[sflag:s15] =	ssyncadd.s32 $0xFFFFD900;
	(pc) =	sbr.rel @p0 .LBB2_1-.Ltmp3, $4  }
0x7f: {  	[hbm:s12], [sflag:s8] =	dma.local [spmem:s16], $0x80  }
0x80: {  	_ =	swait.ge [sflag:s15], $0x80  }
0x81: {  	[sflag:s15] =	ssyncset.done $0x0  }
0x82: {  	[sflag:s15] =	ssyncadd.s32 $0xFFFFFF80  }
0x83: {  	_ =	sfence.sel $0x180000  }
0x84: {  	[bflag:$0x0] =	sbarrier.arrive $0xFFFF  }
0x85: {  	_ =	strace $0x9000004A  }
0x86: {  	[bflag:$0x2] =	sbarrier.arrive $0xFFFF  }
0x87: {  	p0 =	sne.s32 s2, $0x0;
	s0 =	rddreg [dreg:$0x2]  }
0x88: {  	s0 =	sadd.s32 @!p0 $0x100000, s0  }
0x89: {  	[sflag:s0] =	ssyncadd.tile.s32 @!p0 $0x1;
	_ =	shalt  }
.Lfunc_end2:
_tile_overlayer_lowered:
.L_overlay_start_2:
0x8a: {  	(tag) =	ssettag $0x2  }
0x8b: {  	s0 =	rddreg [dreg:$0x0];
	s2 =	stileid.u32  }
0x8c: {  	s1 =	rddreg [dreg:$0x1];
	p0 =	sne.s32 s2, $0x0  }
0x8d: {  	s3 =	rddreg [dreg:$0x2];
	[bflag:$0x3] =	sbarrier.arrive $0xFFFF;
	s2 =	simm.s32 @!p0 $0x1C03  }
0x8e: {  	[timem:s3], [sflag:s2] =	dma.local @!p0 [hbm:s0], s1  }
0x8f: {  	s0 =	simm.s32 @!p0 $0x3  }
0x90: {  	_ =	swait.ge @!p0 [sflag:s0], s1  }
0x91: {  	s1 =	ssub.s32 @!p0 $0x0, s1;
	[sflag:s0] =	ssyncset.done @!p0 $0x0  }
0x92: {  	[sflag:s0] =	ssyncadd.s32 @!p0 s1  }
0x93: {  	[bflag:$0x3] =	sbarrier.arrive $0xFFFF  }
0x94: {  	_ =	shalt  }

// kernel: kernel.15.cloned.1.call-start
scs
__scs_entry_jumppad:
0x0: {  	(pc) =	sbr.rel $0x88, $3  }
0x1: {  	(tag) =	ssettag $0x0;
	lr =	simm.s32 $0x1  }
0x2: {  	[smem:$0x3F99] =	sst lr;
	_ =	strace $0xD0000000  }
0x3: {  	_ = 	snop  }
0x4: {  	_ = 	snop  }
0x5: {  	_ = 	snop  }
0x6: {  	_ = 	snop  }
0x7: {  	_ = 	snop  }
__scs_overlays_trampoline_lowered:
0x8: {  	[smem:$0x3FA8] =	sst s0  }
0x9: {  	[smem:$0x3FA9] =	sst s1  }
0xa: {  	[smem:$0x3FAA] =	sst s2  }
0xb: {  	[smem:$0x3FAB] =	sst s3  }
0xc: {  	[smem:$0x3FAC] =	sst s4  }
0xd: {  	[smem:$0x3FAD] =	sst s5  }
0xe: {  	[smem:$0x3FAE] =	sst s6  }
0xf: {  	[smem:$0x3FAF] =	sst s7  }
0x10: {  	[smem:$0x3FB0] =	sst s8  }
0x11: {  	[smem:$0x3FB1] =	sst s9;
	s0 =	simm.s32 @!p0 $0x0  }
0x12: {  	s1 =	sld [smem:$0x3F97];
	s0 =	simm.s32 @p0 $0x1  }
0x13: {  	[smem:$0x3FB2] =	sst s0;
	s0 =	simm.s32 @!p1 $0x0  }
0x14: {  	s2 =	sld [smem:$0x3F96];
	s0 =	simm.s32 @p1 $0x1  }
0x15: {  	[smem:$0x3FB3] =	sst s0;
	s0 =	simm.s32 @!p2 $0x0  }
0x16: {  	s3 =	sld [smem:$0x3FDB];
	s0 =	simm.s32 @p2 $0x1  }
0x17: {  	s4 =	simm.s32 $0x1BF5;
	[smem:$0x3FB5] =	sst s0  }
0x18: {  	s0 =	sld [smem:$0x3F98];
	_ =	swait.ge [sflag:s4], $0x0  }
0x19: {  	s7 =	sld [smem:$0x3F99]  }
0x1a: {  	s8 =	sadd.s32 $0xFFFFE003, lr  }
0x1b: {  	s9 =	sadd.s32 $0xFFFFFEF7, lr;
	s5 =	simm.s32 $0xFFFFFFFF;
	p2 =	slt.u32 s8, $0xFFFFF086  }
0x1c: {  	p1 =	slt.u32 s9, $0xF7A;
	s5 =	simm.s32 @!p2 $0x0  }
0x1d: {  	s5 =	simm.s32 @p1 $0x1;
	p0 =	seq.s32 s7, s2  }
0x1e: {  	s7 =	smul.u32 @!p0 $0xF7A, s2;
	p2 =	seq.s32 @!p0 s5, $0x0  }
0x1f: {  	s9 =	smul.u32 $0xF7A, s1;
	s8 =	simm.s32 @!p0 $0x1BF5;
	p2 =	por !p2, p0  }
0x20: {  	[sflag:s8] =	ssyncset.s32 @!p0 $0xFFFFF086;
	s6 =	sadd.s32 @!p0 s3, s7;
	s7 =	simm.s32 @!p0 $0x108  }
0x21: {  	s3 =	sadd.s32 s3, s9;
	s6 =	sadd.s32 @!p0 $0x88, s6;
	s7 =	simm.s32 @p2 $0x1082  }
0x22: {  	[simem:s7], [sflag:s8] =	dma.local @!p0 [hbm:s6], $0xF7A  }
0x23: {  	s9 =	sor.u32 $0xD0000000, s2;
	s6 =	simm.s32 $0x108;
	_ =	swait.ge @!p0 [sflag:s8], $0x0  }
0x24: {  	s3 =	sadd.s32 $0x88, s3;
	s6 =	simm.s32 @!p1 $0x1082;
	[sflag:s4] =	ssyncset.s32 $0xFFFFF086  }
0x25: {  	[simem:s6], [sflag:s4] =	dma.local [hbm:s3], $0xF7A  }
0x26: {  	[smem:$0x3F99] =	sst s1;
	(tag) =	ssettag s2;
	_ =	strace s9  }
0x27: {  	s1 =	sld [smem:$0x3FA9]  }
0x28: {  	s2 =	sld [smem:$0x3FAA]  }
0x29: {  	s4 =	sld [smem:$0x3FAC]  }
0x2a: {  	p0 =	seq.s32 s5, $0x0;
	s5 =	sld [smem:$0x3FAD]  }
0x2b: {  	s6 =	sld [smem:$0x3FAE]  }
0x2c: {  	s7 =	sld [smem:$0x3FAF]  }
0x2d: {  	s3 =	simm.s32 $0x108;
	s8 =	sld [smem:$0x3FB0]  }
0x2e: {  	s3 =	simm.s32 @!p0 $0x1082;
	s9 =	sld [smem:$0x3FB1]  }
0x2f: {  	lr =	sadd.s32 s0, s3;
	s0 =	sld [smem:$0x3FA8]  }
0x30: {  	s3 =	sld [smem:$0x3FAB]  }
0x31: {  	[smem:$0x3FB4] =	sst s10  }
0x32: {  	s10 =	sld [smem:$0x3FB2];
	_ =	sdelay $0x3  }
0x33: {  	p0 =	seq.s32 s10, $0x1;
	s10 =	sld [smem:$0x3FB4];
	_ =	sdelay $0x3  }
0x34: {  	[smem:$0x3FB4] =	sst s10  }
0x35: {  	s10 =	sld [smem:$0x3FB3];
	_ =	sdelay $0x3  }
0x36: {  	p1 =	seq.s32 s10, $0x1;
	s10 =	sld [smem:$0x3FB4];
	_ =	sdelay $0x3  }
0x37: {  	[smem:$0x3FB4] =	sst s10  }
0x38: {  	s10 =	sld [smem:$0x3FB5]  }
0x39: {  	_ = 	snop;
	(pc) =	sbr.ind lr, $3  }
0x3a: {  	_ = 	snop  }
0x3b: {  	_ = 	snop  }
0x3c: {  	p2 =	seq.s32 s10, $0x1;
	s10 =	sld [smem:$0x3FB4]  }
0x3d: {  	_ =	shalt  }
0x3e: {  	_ =	shalt  }
0x3f: {  	_ =	shalt  }
0x40: {  	_ =	shalt  }
0x41: {  	_ =	shalt  }
0x42: {  	_ =	shalt  }
0x43: {  	_ =	shalt  }
0x44: {  	_ =	shalt  }
0x45: {  	_ =	shalt  }
0x46: {  	_ =	shalt  }
0x47: {  	_ =	shalt  }
0x48: {  	_ =	shalt  }
0x49: {  	_ =	shalt  }
0x4a: {  	_ =	shalt  }
0x4b: {  	_ =	shalt  }
0x4c: {  	_ =	shalt  }
0x4d: {  	_ =	shalt  }
0x4e: {  	_ =	shalt  }
0x4f: {  	_ =	shalt  }
0x50: {  	_ =	shalt  }
0x51: {  	_ =	shalt  }
0x52: {  	_ =	shalt  }
0x53: {  	_ =	shalt  }
0x54: {  	_ =	shalt  }
0x55: {  	_ =	shalt  }
0x56: {  	_ =	shalt  }
0x57: {  	_ =	shalt  }
0x58: {  	_ =	shalt  }
0x59: {  	_ =	shalt  }
0x5a: {  	_ =	shalt  }
0x5b: {  	_ =	shalt  }
0x5c: {  	_ =	shalt  }
0x5d: {  	_ =	shalt  }
0x5e: {  	_ =	shalt  }
0x5f: {  	_ =	shalt  }
0x60: {  	_ =	shalt  }
0x61: {  	_ =	shalt  }
0x62: {  	_ =	shalt  }
0x63: {  	_ =	shalt  }
0x64: {  	_ =	shalt  }
0x65: {  	_ =	shalt  }
0x66: {  	_ =	shalt  }
0x67: {  	_ =	shalt  }
0x68: {  	_ =	shalt  }
0x69: {  	_ =	shalt  }
0x6a: {  	_ =	shalt  }
0x6b: {  	_ =	shalt  }
0x6c: {  	_ =	shalt  }
0x6d: {  	_ =	shalt  }
0x6e: {  	_ =	shalt  }
0x6f: {  	_ =	shalt  }
0x70: {  	_ =	shalt  }
0x71: {  	_ =	shalt  }
0x72: {  	_ =	shalt  }
0x73: {  	_ =	shalt  }
0x74: {  	_ =	shalt  }
0x75: {  	_ =	shalt  }
0x76: {  	_ =	shalt  }
0x77: {  	_ =	shalt  }
0x78: {  	_ =	shalt  }
0x79: {  	_ =	shalt  }
0x7a: {  	_ =	shalt  }
0x7b: {  	_ =	shalt  }
0x7c: {  	_ =	shalt  }
0x7d: {  	_ =	shalt  }
0x7e: {  	_ =	shalt  }
0x7f: {  	_ =	shalt  }
0x80: {  	_ =	shalt  }
0x81: {  	_ =	shalt  }
0x82: {  	_ =	shalt  }
0x83: {  	_ =	shalt  }
0x84: {  	_ =	shalt  }
0x85: {  	_ =	shalt  }
0x86: {  	_ =	shalt  }
0x87: {  	_ =	shalt  }
.Lfunc_end0:
.L_simem_size_0:
called_computation.2_lowered:
.L_overlay_start_0:
0x88: {  	s2 =	sld [smem:$0x3FD9]  }
0x89: {  	s3 =	sld [smem:$0x3FFE];
	_ =	sdelay $0x1  }
0x8a: {  	s1 =	srdreg.scid  }
0x8b: {  	s0 =	sand.u32 $0x1, s1  }
0x8c: {  	s16 =	sshll.u32 s0, $0xA;
	s2 =	sadd.s32 s3, s2  }
0x8d: {  	s2 =	sadd.s32 s2, s16  }
0x8e: {  	[smem:$0x3FC0] =	sst s2  }
0x8f: {  	_ = 	snop  }
0x90: {  	(tm) =	ssettm $0x1  }
0x91: {  	s17 =	sld [smem:$0x3FFB];
	_ =	sdelay $0x3  }
0x92: {  	_ =	strace s17  }
0x93: {  	s2 =	sld [smem:$0x3FFC];
	_ =	sdelay $0x3  }
0x94: {  	_ =	strace s2  }
0x95: {  	s2 =	sld [smem:$0x3FFD];
	_ =	sdelay $0x3  }
0x96: {  	_ =	strace s2  }
0x97: {  	_ =	strace $0x8FFFFFFF  }
0x98: {  	s18 =	sld [smem:$0x3FDB];
	_ =	sdelay $0x1  }
0x99: {  	s19 =	simm.s32 $_scs_section_size  }
0x9a: {  	s4 =	simm.s32 $_size__tile_overlayer_lowered;
	s5 =	simm.s32 $_tile_overlayer_lowered  }
0x9b: {  	s22 =	simm.s32 $0x1BFF;
	s21 =	sshll.u32 s5, $0x1;
	s2 =	sadd.s32 s19, s18  }
0x9c: {  	s6 =	simm.s32 $0x0;
	s20 =	sshll.u32 s4, $0x1;
	s4 =	sadd.s32 s21, s2  }
0x9d: {  	[timem:s6], [sflag:s22] =	dma.local [hbm:s4], s20  }
0x9e: {  	_ =	swait.ge [sflag:s22], s20  }
0x9f: {  	s3 =	ssub.s32 $0x0, s20;
	[sflag:s22] =	ssyncset.done $0x0  }
0xa0: {  	[sflag:s22] =	ssyncadd.s32 s3;
	_ =	sdelay $0x1  }
0xa1: {  	s23 =	simm.s32 $0x1B8B  }
0xa2: {  	_ =	swait.ge [sflag:s23], $0x1  }
0xa3: {  	[sflag:s23] =	ssyncset.done $0x0  }
0xa4: {  	s25 =	simm.s32 $0x1B8E;
	s24 =	sld [smem:$0x3FFE];
	[sflag:s23] =	ssyncadd.s32 $0xFFFFFFFF  }
0xa5: {  	s26 =	simm.s32 $execute0_lowered;
	[smem:$0x3FD2] =	sst s25  }
0xa6: {  	s4 =	sshll.u32 s26, $0x1;
	_ =	strace $0x8000004C;
	[dreg:$0x1] =	wrdreg $0xFFFFFFFF  }
0xa7: {  	s28 =	simm.s32 $_size_execute0_lowered;
	s2 =	sadd.s32 s2, s4;
	[dreg:$0x0] =	wrdreg $0x0  }
0xa8: {  	s4 =	sshll.u32 s28, $0x1;
	[dreg:$0x2] =	wrdreg s2  }
0xa9: {  	[dreg:$0x3] =	wrdreg s4  }
0xaa: {  	[dreg:$0x4] =	wrdreg $0xC0  }
0xab: {  	_ =	task [dreg:s6], $0x5FFFF  }
0xac: {  	[dreg:$0x1] =	wrdreg $0xFFFFFFFF  }
0xad: {  	[dreg:$0x0] =	wrdreg $0x60  }
0xae: {  	[dreg:$0x2] =	wrdreg s24  }
0xaf: {  	[dreg:$0x3] =	wrdreg $0xB0000  }
0xb0: {  	[dreg:$0x4] =	wrdreg $0x9  }
0xb1: {  	_ =	task.clear_ibuf [dreg:s6], $0x5FFFF;
	_ =	strace $0x9000004C  }
0xb2: {  	s29 =	simm.s32 $0x9;
	_ =	strace $0x8000004E  }
0xb3: {  	_ =	swait.ge [sflag:s29], $0x1  }
0xb4: {  	[sflag:s29] =	ssyncadd.s32 $0xFFFFFFFF  }
0xb5: {  	_ =	strace $0x9000004E  }
0xb6: {  	_ =	sfence  }
0xb7: {  	s30 =	sld [smem:$0x0];
	_ =	sdelay $0x2  }
0xb8: {  	s31 =	sshll.u32 s1, $0xD;
	s1 =	sshrl.u32 s1, $0x2  }
0xb9: {  	s3 =	sand.u32 $0x4000, s31;
	s1 =	sadd.s32 s1, s30  }
0xba: {  	s0 =	sor.u32 s3, s0;
	s1 =	sshll.u32 s1, $0x11  }
0xbb: {  	s0 =	sor.u32 s1, s0  }
0xbc: {  	s0 =	sadd.s32 $0x8F2B, s0  }
0xbd: {  	[sflag:s0] =	ssyncadd.remote.s32 $0x1  }
0xbe: {  	_ =	sfence.sel $0xFFFF  }
0xbf: {  	[dreg:$0x0] =	wrdreg $0xFFFFFFFF;
	(pc) =	sbr.abs _section_cstart, $3  }
0xc0: {  	[dreg:$0x1] =	wrdreg $0xFFFFFFFF  }
0xc1: {  	_ =	task.clear_ibuf [dreg:s6], $0x2FFFF;
	_ =	strace $0x9FFFFFFF  }
0xc2: {  	(tm) =	ssettm $0x7FFFFFFF  }
0xc3: {  	_ =	shalt  }
tec
execute0_lowered:
.L_overlay_start_1:
0x0: {  	(tag) =	ssettag $0x1  }
0x1: {  	s7 =	rddreg [dreg:$0x0]  }
0x2: {  	s1 =	rddreg [dreg:$0x1];
	s3 =	simm.s32 $0x0  }
0x3: {  	s4 =	srdreg.scid;
	s2 =	stileid.u32;
	s19 =	simm.s32 $0x3000  }
0x4: {  	s20 =	simm.s32 $0x7000;
	s21 =	simm.s32 $0x1;
	s22 =	simm.s32 $0x2  }
0x5: {  	s23 =	simm.s32 $0xF80;
	s24 =	simm.s32 $0x2F00;
	s25 =	simm.s32 $0x2F80  }
0x6: {  	[smem:$0x7FF] =	sst s3;
	s8 =	sand.u32 $0x1, s4;
	s9 =	smul.u32 $0x4E000, s2  }
0x7: {  	s4 =	sadd.s32 $0x53200, s7;
	s5 =	sadd.s32 $0x2B200, s7;
	s12 =	smul.u32 $0x270, s2  }
0x8: {  	s6 =	sadd.s32 $0x3200, s7;
	s13 =	sadd.s32 $0xA1400, s7;
	s16 =	smul.u32 $0xA000, s2  }
0x9: {  	p0 =	seq.s32 s2, $0x0;
	s31 =	sshll.u32 s2, $0x6;
	s10 =	smul.u32 $0x2710, s8  }
0xa: {  	_ =	strace $0x8000004D;
	s11 =	ssub.s32 $0x2, s8;
	s30 =	smul.u32 $0xA0000, s8  }
0xb: {  	s8 =	sor.u32 $0x1C03, s31;
	s26 =	sshrl.u32 s11, $0x1;
	s9 =	sshrl.u32 s9, $0x2  }
0xc: {  	s15 =	sadd.s32 s9, s1;
	s28 =	sadd.s32 s12, s10;
	s9 =	simm.s32 $0x2700  }
0xd: {  	s14 =	ssub.s32 s11, s26;
	s29 =	sshll.u32 s28, $0x4;
	s9 =	simm.s32 @!p0 $0x2708  }
0xe: {  	s7 =	sadd.s32 s4, s29;
	s10 =	sadd.s32 s10, s9;
	s9 =	sshll.u32 s9, $0x7  }
0xf: {  	s11 =	sadd.s32 s13, s29;
	s17 =	sshll.u32 s10, $0x4;
	s18 =	sadd.s32 s9, s1  }
0x10: {  	s10 =	sadd.s32 s16, s30;
	s9 =	sadd.s32 s4, s17;
	s12 =	sadd.s32 s13, s17  }
0x11: {  	s13 =	smax.u32 s14, $0x1;
	s14 =	sshrl.u32 s15, $0x3;
	s15 =	simm.s32 $0x3  }
0x12: {  	s16 =	sshrl.u32 s18, $0x3;
	s17 =	simm.s32 $0x1000;
	s18 =	simm.s32 $0x80  }
.LBB2_1:
0x13: {  	[spmem:s14], [sflag:s8] =	dma.local [hbm:s7], $0x2700  }
0x14: {  	_ =	swait.ge [sflag:s15], $0x2700  }
0x15: {  	[sflag:s15] =	ssyncset.done $0x0  }
0x16: {  	[sflag:s15] =	ssyncadd.s32 $0xFFFFD900  }
0x17: {  	[spmem:s16], [sflag:s8] =	dma.local [hbm:s9], $0x80  }
0x18: {  	_ =	swait.ge [sflag:s15], $0x80  }
0x19: {  	[sflag:s15] =	ssyncset.done $0x0  }
0x1a: {  	[sflag:s15] =	ssyncadd.s32 $0xFFFFFF80  }
0x1b: {  	s26 =	simm.s32 $0x0;
	[bflag:$0x0] =	sbarrier.arrive $0xFFFF  }
.LBB2_2:
0x1c: {  	s28 =	sshll.u32 s26, $0xC  }
0x1d: {  	s28 =	sadd.s32 s28, s10  }
0x1e: {  	s28 =	sshrl.u32 s28, $0x3  }
0x1f: {  	s30 =	simm.s32 $0x0;
	s29 =	sadd.s32 s5, s28  }
0x20: {  	[tilespmem:s30], [sflag:$0x3] =	stream.linear.gather [hbm4b:s29+s30], $0x1000, $0x38;
	[tilespmem:$0x1EC80] =	vst v63  }
0x21: {  	_ =	swait.ge [sflag:s15], $0x1000  }
0x22: {  	[sflag:s15] =	ssyncset.done $0x0  }
0x23: {  	s28 =	sadd.s32 s6, s28;
	[sflag:s15] =	ssyncadd.s32 $0xFFFFF000  }
0x24: {  	[tilespmem:s17], [sflag:$0x3] =	stream.linear.gather [hbm4b:s28+s30], $0x1000, $0x38;
	[tilespmem:$0x1EC80] =	vst v63  }
0x25: {  	_ =	swait.ge [sflag:s15], $0x1000  }
0x26: {  	[sflag:s15] =	ssyncset.done $0x0  }
0x27: {  	s29 =	simm.s32 $0x0;
	[sflag:s15] =	ssyncadd.s32 $0xFFFFF000  }
0x28: {  	v0 =	vld [tilespmem:s29+$0x1000]  }
0x29: {  	s28 =	sand.u32 $0x3E00, s30  }
0x2a: {  	s30 =	sand.u32 $0x70, s30;
	s31 =	sshrl.u32 s28, $0x2  }
0x2b: {  	s28 =	simm.s32 $0x10;
	s30 =	sor.u32 s30, s31;
	s29 =	simm.s32 $0x40  }
.LBB2_3:
0x2c: {  	s31 =	sshra.s32 s29, $0x2  }
0x2d: {  	p0 =	sne.s32 s28, $0xFF0;
	[tilespmem:s30+$0x2000] =	vst v0;
	s30 =	smov.u32 s28;
	s28 =	sadd.s32 $0x10, s28  }
.Ltmp0:
0x2e: {  	v0 =	vld [tilespmem:s31+$0x1000];
	(pc) =	sbr.rel @p0 .LBB2_3-.Ltmp0, $4  }
0x2f: {  	_ = 	snop  }
0x30: {  	s31 =	sand.u32 $0x3E00, s29  }
0x31: {  	s30 =	sand.u32 $0x70, s30;
	s31 =	sshrl.u32 s31, $0x2  }
0x32: {  	s29 =	sadd.s32 $0x40, s29;
	s30 =	sor.u32 s30, s31  }
0x33: {  	[tilespmem:s30+$0x2000] =	vst v0;
	s28 =	simm.s32 $0x0  }
0x34: {  	[tilespmem:s19], [sflag:$0x1] =	stream.indirect.gather [hbm4b:s4+s18], $0x80, s28, s18, $0xb8;
	[tilespmem:$0x1EC80] =	vst v63  }
0x35: {  	s28 =	simm.s32 $0x80  }
0x36: {  	[tilespmem:s20], [sflag:$0x2] =	stream.indirect.gather [hbm4b:s4+s18], $0x80, s28, s18, $0xb8;
	[tilespmem:$0x1EC80] =	vst v63  }
0x37: {  	_ =	swait.ge [sflag:s21], $0x4000  }
0x38: {  	[sflag:s21] =	ssyncset.done $0x0  }
0x39: {  	s28 =	simm.s32 $0x2000;
	[sflag:s21] =	ssyncadd.s32 $0xFFFFC000  }
0x3a: {  	[spmem:s1] =	stream.indirect.scatter.add.f32 [tilespmem:s19], [sflag:$0x3], $0x80, s28, s18, $0xb8;
	[tilespmem:$0x1EC80] =	vst v63  }
0x3b: {  	_ =	swait.ge [sflag:s15], $0x4000  }
0x3c: {  	[sflag:s15] =	ssyncset.done $0x0  }
0x3d: {  	s28 =	simm.s32 $0x100;
	[sflag:s15] =	ssyncadd.s32 $0xFFFFC000  }
0x3e: {  	[tilespmem:s19], [sflag:$0x1] =	stream.indirect.gather [hbm4b:s4+s18], $0x80, s28, s18, $0xb8;
	[tilespmem:$0x1EC80] =	vst v63  }
0x3f: {  	_ =	swait.ge [sflag:s22], $0x4000  }
0x40: {  	[sflag:s22] =	ssyncset.done $0x0  }
0x41: {  	s28 =	simm.s32 $0x2080;
	[sflag:s22] =	ssyncadd.s32 $0xFFFFC000  }
0x42: {  	[spmem:s1] =	stream.indirect.scatter.add.f32 [tilespmem:s20], [sflag:$0x3], $0x80, s28, s18, $0xb8;
	[tilespmem:$0x1EC80] =	vst v63  }
0x43: {  	_ =	swait.ge [sflag:s15], $0x4000  }
0x44: {  	s29 =	simm.s32 $0x800;
	s28 =	simm.s32 $0x100;
	[sflag:s15] =	ssyncset.done $0x0  }
.LBB2_5:
0x45: {  	s30 =	sadd.s32 $0x80, s28  }
0x46: {  	[sflag:s15] =	ssyncadd.s32 $0xFFFFC000;
	s31 =	smov.u32 s29;
	s0 =	sadd.s32 $0x400, s29  }
0x47: {  	[tilespmem:s20], [sflag:$0x2] =	stream.indirect.gather [hbm4b:s4+s18], $0x80, s30, s18, $0xb8;
	[tilespmem:$0x1EC80] =	vst v63  }
0x48: {  	p0 =	sne.s32 s29, $0x3800;
	_ =	swait.ge [sflag:s21], $0x4000  }
0x49: {  	[sflag:s21] =	ssyncset.done $0x0  }
0x4a: {  	s29 =	sadd.s32 $0x2000, s28;
	[sflag:s21] =	ssyncadd.s32 $0xFFFFC000  }
0x4b: {  	[spmem:s1] =	stream.indirect.scatter.add.f32 [tilespmem:s19], [sflag:$0x3], $0x80, s29, s18, $0xb8;
	[tilespmem:$0x1EC80] =	vst v63  }
0x4c: {  	_ =	swait.ge [sflag:s15], $0x4000  }
0x4d: {  	[sflag:s15] =	ssyncset.done $0x0  }
0x4e: {  	s29 =	sadd.s32 $0x100, s28;
	[sflag:s15] =	ssyncadd.s32 $0xFFFFC000  }
0x4f: {  	[tilespmem:s19], [sflag:$0x1] =	stream.indirect.gather [hbm4b:s4+s18], $0x80, s29, s18, $0xb8;
	[tilespmem:$0x1EC80] =	vst v63  }
0x50: {  	_ =	swait.ge [sflag:s22], $0x4000  }
.Ltmp1:
0x51: {  	[sflag:s22] =	ssyncset.done $0x0;
	(pc) =	sbr.rel @p0 .LBB2_5-.Ltmp1, $4  }
0x52: {  	s28 =	sadd.s32 $0x2080, s28;
	[sflag:s22] =	ssyncadd.s32 $0xFFFFC000  }
0x53: {  	[spmem:s1] =	stream.indirect.scatter.add.f32 [tilespmem:s20], [sflag:$0x3], $0x80, s28, s18, $0xb8;
	[tilespmem:$0x1EC80] =	vst v63  }
0x54: {  	_ =	swait.ge [sflag:s15], $0x4000  }
0x55: {  	s29 =	smov.u32 s0;
	s28 =	sshra.s32 s31, $0x2;
	[sflag:s15] =	ssyncset.done $0x0  }
0x56: {  	s0 =	sadd.s32 $0x80, s28;
	[sflag:s15] =	ssyncadd.s32 $0xFFFFC000  }
0x57: {  	[tilespmem:s20], [sflag:$0x2] =	stream.indirect.gather [hbm4b:s4+s18], $0x80, s0, s18, $0xb8;
	[tilespmem:$0x1EC80] =	vst v63  }
0x58: {  	_ =	swait.ge [sflag:s21], $0x4000  }
0x59: {  	[sflag:s21] =	ssyncset.done $0x0  }
0x5a: {  	s29 =	sadd.s32 $0x2000, s28;
	[sflag:s21] =	ssyncadd.s32 $0xFFFFC000  }
0x5b: {  	[spmem:s1] =	stream.indirect.scatter.add.f32 [tilespmem:s19], [sflag:$0x3], $0x80, s29, s18, $0xb8;
	[tilespmem:$0x1EC80] =	vst v63  }
0x5c: {  	_ =	swait.ge [sflag:s15], $0x4000  }
0x5d: {  	[sflag:s15] =	ssyncset.done $0x0  }
0x5e: {  	s30 =	sadd.s32 $0x100, s28;
	[sflag:s15] =	ssyncadd.s32 $0xFFFFC000  }
0x5f: {  	[tilespmem:s19], [sflag:$0x1] =	stream.indirect.gather [hbm4b:s4+s18], $0x80, s30, s18, $0xb8;
	[tilespmem:$0x1EC80] =	vst v63  }
0x60: {  	_ =	swait.ge [sflag:s22], $0x4000  }
0x61: {  	[sflag:s22] =	ssyncset.done $0x0  }
0x62: {  	s31 =	sadd.s32 $0x2080, s28;
	[sflag:s22] =	ssyncadd.s32 $0xFFFFC000  }
0x63: {  	[spmem:s1] =	stream.indirect.scatter.add.f32 [tilespmem:s20], [sflag:$0x3], $0x80, s31, s18, $0xb8;
	[tilespmem:$0x1EC80] =	vst v63  }
0x64: {  	_ =	swait.ge [sflag:s15], $0x4000  }
0x65: {  	[sflag:s15] =	ssyncset.done $0x0  }
0x66: {  	[sflag:s15] =	ssyncadd.s32 $0xFFFFC000  }
0x67: {  	[tilespmem:s20], [sflag:$0x2] =	stream.indirect.gather [hbm4b:s4+s18], $0x80, s23, s18, $0xb8;
	[tilespmem:$0x1EC80] =	vst v63  }
0x68: {  	_ =	swait.ge [sflag:s21], $0x4000  }
0x69: {  	[sflag:s21] =	ssyncset.done $0x0  }
0x6a: {  	[sflag:s21] =	ssyncadd.s32 $0xFFFFC000  }
0x6b: {  	[spmem:s1] =	stream.indirect.scatter.add.f32 [tilespmem:s19], [sflag:$0x3], $0x80, s24, s18, $0xb8;
	[tilespmem:$0x1EC80] =	vst v63  }
0x6c: {  	_ =	swait.ge [sflag:s15], $0x4000  }
0x6d: {  	[sflag:s15] =	ssyncset.done $0x0  }
0x6e: {  	[sflag:s15] =	ssyncadd.s32 $0xFFFFC000  }
0x6f: {  	[tilespmem:s19], [sflag:$0x1] =	stream.indirect.gather [hbm4b:s4+s18], $0x80, s23, s18, $0xb8;
	[tilespmem:$0x1EC80] =	vst v63  }
0x70: {  	_ =	swait.ge [sflag:s22], $0x4000  }
0x71: {  	[sflag:s22] =	ssyncset.done $0x0  }
0x72: {  	s26 =	sadd.s32 $0x1, s26;
	[sflag:s22] =	ssyncadd.s32 $0xFFFFC000  }
0x73: {  	[spmem:s1] =	stream.indirect.scatter.add.f32 [tilespmem:s20], [sflag:$0x3], $0x80, s25, s18, $0xb8;
	[tilespmem:$0x1EC80] =	vst v63  }
0x74: {  	p0 =	sne.s32 s26, $0xA;
	_ =	swait.ge [sflag:s15], $0x4000  }
.Ltmp2:
0x75: {  	[sflag:s15] =	ssyncset.done $0x0;
	(pc) =	sbr.rel @p0 .LBB2_2-.Ltmp2, $4  }
0x76: {  	[sflag:s15] =	ssyncadd.s32 $0xFFFFC000  }
0x77: {  	_ =	swait.ge [sflag:s21], $0x4000  }
0x78: {  	[sflag:s21] =	ssyncset.done $0x0  }
0x79: {  	[sflag:s21] =	ssyncadd.s32 $0xFFFFC000  }
0x7a: {  	[bflag:$0x0] =	sbarrier.arrive $0xFFFF  }
0x7b: {  	[hbm:s11], [sflag:s8] =	dma.local [spmem:s14], $0x2700  }
0x7c: {  	s3 =	sadd.s32 $0x1, s3;
	_ =	swait.ge [sflag:s15], $0x2700  }
0x7d: {  	p0 =	sne.s32 s3, s13;
	[sflag:s15] =	ssyncset.done $0x0  }
.Ltmp3:
0x7e: {  	[sflag:s15] =	ssyncadd.s32 $0xFFFFD900;
	(pc) =	sbr.rel @p0 .LBB2_1-.Ltmp3, $4  }
0x7f: {  	[hbm:s12], [sflag:s8] =	dma.local [spmem:s16], $0x80  }
0x80: {  	_ =	swait.ge [sflag:s15], $0x80  }
0x81: {  	[sflag:s15] =	ssyncset.done $0x0  }
0x82: {  	[sflag:s15] =	ssyncadd.s32 $0xFFFFFF80  }
0x83: {  	_ =	sfence.sel $0x180000  }
0x84: {  	[bflag:$0x0] =	sbarrier.arrive $0xFFFF  }
0x85: {  	_ =	strace $0x9000004D  }
0x86: {  	[bflag:$0x2] =	sbarrier.arrive $0xFFFF  }
0x87: {  	p0 =	sne.s32 s2, $0x0;
	s0 =	rddreg [dreg:$0x2]  }
0x88: {  	s0 =	sadd.s32 @!p0 $0x100000, s0  }
0x89: {  	[sflag:s0] =	ssyncadd.tile.s32 @!p0 $0x1;
	_ =	shalt  }
.Lfunc_end2:
_tile_overlayer_lowered:
.L_overlay_start_2:
0x8a: {  	(tag) =	ssettag $0x2  }
0x8b: {  	s0 =	rddreg [dreg:$0x0];
	s2 =	stileid.u32  }
0x8c: {  	s1 =	rddreg [dreg:$0x1];
	p0 =	sne.s32 s2, $0x0  }
0x8d: {  	s3 =	rddreg [dreg:$0x2];
	[bflag:$0x3] =	sbarrier.arrive $0xFFFF;
	s2 =	simm.s32 @!p0 $0x1C03  }
0x8e: {  	[timem:s3], [sflag:s2] =	dma.local @!p0 [hbm:s0], s1  }
0x8f: {  	s0 =	simm.s32 @!p0 $0x3  }
0x90: {  	_ =	swait.ge @!p0 [sflag:s0], s1  }
0x91: {  	s1 =	ssub.s32 @!p0 $0x0, s1;
	[sflag:s0] =	ssyncset.done @!p0 $0x0  }
0x92: {  	[sflag:s0] =	ssyncadd.s32 @!p0 s1  }
0x93: {  	[bflag:$0x3] =	sbarrier.arrive $0xFFFF  }
0x94: {  	_ =	shalt  }

// kernel: kernel.18.cloned.1.call-start
scs
__scs_entry_jumppad:
0x0: {  	(pc) =	sbr.rel $0x88, $3  }
0x1: {  	(tag) =	ssettag $0x0;
	lr =	simm.s32 $0x1  }
0x2: {  	[smem:$0x3F99] =	sst lr;
	_ =	strace $0xD0000000  }
0x3: {  	_ = 	snop  }
0x4: {  	_ = 	snop  }
0x5: {  	_ = 	snop  }
0x6: {  	_ = 	snop  }
0x7: {  	_ = 	snop  }
__scs_overlays_trampoline_lowered:
0x8: {  	[smem:$0x3FA8] =	sst s0  }
0x9: {  	[smem:$0x3FA9] =	sst s1  }
0xa: {  	[smem:$0x3FAA] =	sst s2  }
0xb: {  	[smem:$0x3FAB] =	sst s3  }
0xc: {  	[smem:$0x3FAC] =	sst s4  }
0xd: {  	[smem:$0x3FAD] =	sst s5  }
0xe: {  	[smem:$0x3FAE] =	sst s6  }
0xf: {  	[smem:$0x3FAF] =	sst s7  }
0x10: {  	[smem:$0x3FB0] =	sst s8  }
0x11: {  	[smem:$0x3FB1] =	sst s9;
	s0 =	simm.s32 @!p0 $0x0  }
0x12: {  	s1 =	sld [smem:$0x3F97];
	s0 =	simm.s32 @p0 $0x1  }
0x13: {  	[smem:$0x3FB2] =	sst s0;
	s0 =	simm.s32 @!p1 $0x0  }
0x14: {  	s2 =	sld [smem:$0x3F96];
	s0 =	simm.s32 @p1 $0x1  }
0x15: {  	[smem:$0x3FB3] =	sst s0;
	s0 =	simm.s32 @!p2 $0x0  }
0x16: {  	s3 =	sld [smem:$0x3FDB];
	s0 =	simm.s32 @p2 $0x1  }
0x17: {  	s4 =	simm.s32 $0x1BF5;
	[smem:$0x3FB5] =	sst s0  }
0x18: {  	s0 =	sld [smem:$0x3F98];
	_ =	swait.ge [sflag:s4], $0x0  }
0x19: {  	s7 =	sld [smem:$0x3F99]  }
0x1a: {  	s8 =	sadd.s32 $0xFFFFE003, lr  }
0x1b: {  	s9 =	sadd.s32 $0xFFFFFEF7, lr;
	s5 =	simm.s32 $0xFFFFFFFF;
	p2 =	slt.u32 s8, $0xFFFFF086  }
0x1c: {  	p1 =	slt.u32 s9, $0xF7A;
	s5 =	simm.s32 @!p2 $0x0  }
0x1d: {  	s5 =	simm.s32 @p1 $0x1;
	p0 =	seq.s32 s7, s2  }
0x1e: {  	s7 =	smul.u32 @!p0 $0xF7A, s2;
	p2 =	seq.s32 @!p0 s5, $0x0  }
0x1f: {  	s9 =	smul.u32 $0xF7A, s1;
	s8 =	simm.s32 @!p0 $0x1BF5;
	p2 =	por !p2, p0  }
0x20: {  	[sflag:s8] =	ssyncset.s32 @!p0 $0xFFFFF086;
	s6 =	sadd.s32 @!p0 s3, s7;
	s7 =	simm.s32 @!p0 $0x108  }
0x21: {  	s3 =	sadd.s32 s3, s9;
	s6 =	sadd.s32 @!p0 $0x88, s6;
	s7 =	simm.s32 @p2 $0x1082  }
0x22: {  	[simem:s7], [sflag:s8] =	dma.local @!p0 [hbm:s6], $0xF7A  }
0x23: {  	s9 =	sor.u32 $0xD0000000, s2;
	s6 =	simm.s32 $0x108;
	_ =	swait.ge @!p0 [sflag:s8], $0x0  }
0x24: {  	s3 =	sadd.s32 $0x88, s3;
	s6 =	simm.s32 @!p1 $0x1082;
	[sflag:s4] =	ssyncset.s32 $0xFFFFF086  }
0x25: {  	[simem:s6], [sflag:s4] =	dma.local [hbm:s3], $0xF7A  }
0x26: {  	[smem:$0x3F99] =	sst s1;
	(tag) =	ssettag s2;
	_ =	strace s9  }
0x27: {  	s1 =	sld [smem:$0x3FA9]  }
0x28: {  	s2 =	sld [smem:$0x3FAA]  }
0x29: {  	s4 =	sld [smem:$0x3FAC]  }
0x2a: {  	p0 =	seq.s32 s5, $0x0;
	s5 =	sld [smem:$0x3FAD]  }
0x2b: {  	s6 =	sld [smem:$0x3FAE]  }
0x2c: {  	s7 =	sld [smem:$0x3FAF]  }
0x2d: {  	s3 =	simm.s32 $0x108;
	s8 =	sld [smem:$0x3FB0]  }
0x2e: {  	s3 =	simm.s32 @!p0 $0x1082;
	s9 =	sld [smem:$0x3FB1]  }
0x2f: {  	lr =	sadd.s32 s0, s3;
	s0 =	sld [smem:$0x3FA8]  }
0x30: {  	s3 =	sld [smem:$0x3FAB]  }
0x31: {  	[smem:$0x3FB4] =	sst s10  }
0x32: {  	s10 =	sld [smem:$0x3FB2];
	_ =	sdelay $0x3  }
0x33: {  	p0 =	seq.s32 s10, $0x1;
	s10 =	sld [smem:$0x3FB4];
	_ =	sdelay $0x3  }
0x34: {  	[smem:$0x3FB4] =	sst s10  }
0x35: {  	s10 =	sld [smem:$0x3FB3];
	_ =	sdelay $0x3  }
0x36: {  	p1 =	seq.s32 s10, $0x1;
	s10 =	sld [smem:$0x3FB4];
	_ =	sdelay $0x3  }
0x37: {  	[smem:$0x3FB4] =	sst s10  }
0x38: {  	s10 =	sld [smem:$0x3FB5]  }
0x39: {  	_ = 	snop;
	(pc) =	sbr.ind lr, $3  }
0x3a: {  	_ = 	snop  }
0x3b: {  	_ = 	snop  }
0x3c: {  	p2 =	seq.s32 s10, $0x1;
	s10 =	sld [smem:$0x3FB4]  }
0x3d: {  	_ =	shalt  }
0x3e: {  	_ =	shalt  }
0x3f: {  	_ =	shalt  }
0x40: {  	_ =	shalt  }
0x41: {  	_ =	shalt  }
0x42: {  	_ =	shalt  }
0x43: {  	_ =	shalt  }
0x44: {  	_ =	shalt  }
0x45: {  	_ =	shalt  }
0x46: {  	_ =	shalt  }
0x47: {  	_ =	shalt  }
0x48: {  	_ =	shalt  }
0x49: {  	_ =	shalt  }
0x4a: {  	_ =	shalt  }
0x4b: {  	_ =	shalt  }
0x4c: {  	_ =	shalt  }
0x4d: {  	_ =	shalt  }
0x4e: {  	_ =	shalt  }
0x4f: {  	_ =	shalt  }
0x50: {  	_ =	shalt  }
0x51: {  	_ =	shalt  }
0x52: {  	_ =	shalt  }
0x53: {  	_ =	shalt  }
0x54: {  	_ =	shalt  }
0x55: {  	_ =	shalt  }
0x56: {  	_ =	shalt  }
0x57: {  	_ =	shalt  }
0x58: {  	_ =	shalt  }
0x59: {  	_ =	shalt  }
0x5a: {  	_ =	shalt  }
0x5b: {  	_ =	shalt  }
0x5c: {  	_ =	shalt  }
0x5d: {  	_ =	shalt  }
0x5e: {  	_ =	shalt  }
0x5f: {  	_ =	shalt  }
0x60: {  	_ =	shalt  }
0x61: {  	_ =	shalt  }
0x62: {  	_ =	shalt  }
0x63: {  	_ =	shalt  }
0x64: {  	_ =	shalt  }
0x65: {  	_ =	shalt  }
0x66: {  	_ =	shalt  }
0x67: {  	_ =	shalt  }
0x68: {  	_ =	shalt  }
0x69: {  	_ =	shalt  }
0x6a: {  	_ =	shalt  }
0x6b: {  	_ =	shalt  }
0x6c: {  	_ =	shalt  }
0x6d: {  	_ =	shalt  }
0x6e: {  	_ =	shalt  }
0x6f: {  	_ =	shalt  }
0x70: {  	_ =	shalt  }
0x71: {  	_ =	shalt  }
0x72: {  	_ =	shalt  }
0x73: {  	_ =	shalt  }
0x74: {  	_ =	shalt  }
0x75: {  	_ =	shalt  }
0x76: {  	_ =	shalt  }
0x77: {  	_ =	shalt  }
0x78: {  	_ =	shalt  }
0x79: {  	_ =	shalt  }
0x7a: {  	_ =	shalt  }
0x7b: {  	_ =	shalt  }
0x7c: {  	_ =	shalt  }
0x7d: {  	_ =	shalt  }
0x7e: {  	_ =	shalt  }
0x7f: {  	_ =	shalt  }
0x80: {  	_ =	shalt  }
0x81: {  	_ =	shalt  }
0x82: {  	_ =	shalt  }
0x83: {  	_ =	shalt  }
0x84: {  	_ =	shalt  }
0x85: {  	_ =	shalt  }
0x86: {  	_ =	shalt  }
0x87: {  	_ =	shalt  }
.Lfunc_end0:
.L_simem_size_0:
called_computation.3_lowered:
.L_overlay_start_0:
0x88: {  	s2 =	sld [smem:$0x3FD9]  }
0x89: {  	s3 =	sld [smem:$0x3FFE];
	_ =	sdelay $0x1  }
0x8a: {  	s1 =	srdreg.scid  }
0x8b: {  	s0 =	sand.u32 $0x1, s1  }
0x8c: {  	s14 =	sshll.u32 s0, $0xA;
	s2 =	sadd.s32 s3, s2  }
0x8d: {  	s2 =	sadd.s32 s2, s14  }
0x8e: {  	[smem:$0x3FC0] =	sst s2  }
0x8f: {  	_ = 	snop  }
0x90: {  	s2 =	sld [smem:$0x3FD0];
	_ =	sdelay $0x2  }
0x91: {  	s15 =	simm.s32 $0xA;
	s4 =	simm.s32 $0x10  }
0x92: {  	[smem:s4], [sflag:s15] =	dma.local [hbm:s2], $0x1  }
0x93: {  	_ =	swait.eq [sflag:s15], $0x1  }
0x94: {  	[sflag:s15] =	ssyncset.done $0x0  }
0x95: {  	[sflag:s15] =	ssyncadd.s32 $0xFFFFFFFF  }
0x96: {  	s16 =	sld [smem:$0x10];
	(tm) =	ssettm $0x1  }
0x97: {  	s17 =	sld [smem:$0x3FFB];
	_ =	sdelay $0x3  }
0x98: {  	_ =	strace s17  }
0x99: {  	s3 =	sld [smem:$0x3FFC];
	_ =	sdelay $0x3  }
0x9a: {  	_ =	strace s3  }
0x9b: {  	s3 =	sld [smem:$0x3FFD];
	_ =	sdelay $0x3  }
0x9c: {  	_ =	strace s3  }
0x9d: {  	_ =	strace $0x8FFFFFFF  }
0x9e: {  	s18 =	sld [smem:$0x3FDB];
	_ =	sdelay $0x1  }
0x9f: {  	s19 =	simm.s32 $_scs_section_size  }
0xa0: {  	s5 =	simm.s32 $_size__tile_overlayer_lowered;
	s6 =	simm.s32 $_tile_overlayer_lowered  }
0xa1: {  	s22 =	simm.s32 $0x1BFF;
	s21 =	sshll.u32 s6, $0x1;
	s3 =	sadd.s32 s19, s18  }
0xa2: {  	s7 =	simm.s32 $0x0;
	s20 =	sshll.u32 s5, $0x1;
	s5 =	sadd.s32 s21, s3  }
0xa3: {  	[timem:s7], [sflag:s22] =	dma.local [hbm:s5], s20  }
0xa4: {  	_ =	swait.ge [sflag:s22], s20  }
0xa5: {  	s4 =	ssub.s32 $0x0, s20;
	[sflag:s22] =	ssyncset.done $0x0  }
0xa6: {  	[sflag:s22] =	ssyncadd.s32 s4;
	_ =	sdelay $0x1  }
0xa7: {  	s23 =	simm.s32 $0x1B8B  }
0xa8: {  	_ =	swait.ge [sflag:s23], $0x1  }
0xa9: {  	[sflag:s23] =	ssyncset.done $0x0  }
0xaa: {  	s25 =	simm.s32 $0x1B8E;
	s24 =	sld [smem:$0x3FFE];
	[sflag:s23] =	ssyncadd.s32 $0xFFFFFFFF  }
0xab: {  	s26 =	simm.s32 $execute0_lowered;
	[smem:$0x3FD2] =	sst s25  }
0xac: {  	s5 =	sshll.u32 s26, $0x1;
	_ =	strace $0x8000004F;
	[dreg:$0x1] =	wrdreg $0xFFFFFFFF  }
0xad: {  	s28 =	simm.s32 $_size_execute0_lowered;
	s3 =	sadd.s32 s3, s5;
	[dreg:$0x0] =	wrdreg $0x0  }
0xae: {  	s5 =	sshll.u32 s28, $0x1;
	[dreg:$0x2] =	wrdreg s3  }
0xaf: {  	[dreg:$0x3] =	wrdreg s5  }
0xb0: {  	[dreg:$0x4] =	wrdreg $0xC0  }
0xb1: {  	_ =	task [dreg:s7], $0x5FFFF  }
0xb2: {  	[dreg:$0x1] =	wrdreg $0xFFFFFFFF  }
0xb3: {  	[dreg:$0x0] =	wrdreg $0x60  }
0xb4: {  	[dreg:$0x2] =	wrdreg s24  }
0xb5: {  	[dreg:$0x3] =	wrdreg s16  }
0xb6: {  	[dreg:$0x4] =	wrdreg $0x9  }
0xb7: {  	_ =	task.clear_ibuf [dreg:s7], $0x5FFFF;
	_ =	strace $0x9000004F  }
0xb8: {  	s29 =	simm.s32 $0x9;
	_ =	strace $0x80000051  }
0xb9: {  	_ =	swait.ge [sflag:s29], $0x1  }
0xba: {  	[sflag:s29] =	ssyncadd.s32 $0xFFFFFFFF  }
0xbb: {  	_ =	strace $0x90000051  }
0xbc: {  	_ =	sfence  }
0xbd: {  	s30 =	sld [smem:$0x0];
	_ =	sdelay $0x2  }
0xbe: {  	s31 =	sshll.u32 s1, $0xD;
	s1 =	sshrl.u32 s1, $0x2  }
0xbf: {  	s3 =	sand.u32 $0x4000, s31;
	s1 =	sadd.s32 s1, s30  }
0xc0: {  	s0 =	sor.u32 s3, s0;
	s1 =	sshll.u32 s1, $0x11  }
0xc1: {  	s0 =	sor.u32 s1, s0  }
0xc2: {  	s0 =	sadd.s32 $0x8F2B, s0  }
0xc3: {  	[sflag:s0] =	ssyncadd.remote.s32 $0x1  }
0xc4: {  	_ =	sfence.sel $0xFFFF  }
0xc5: {  	[dreg:$0x0] =	wrdreg $0xFFFFFFFF;
	(pc) =	sbr.abs _section_cstart, $3  }
0xc6: {  	[dreg:$0x1] =	wrdreg $0xFFFFFFFF  }
0xc7: {  	_ =	task.clear_ibuf [dreg:s7], $0x2FFFF;
	_ =	strace $0x9FFFFFFF  }
0xc8: {  	(tm) =	ssettm $0x7FFFFFFF  }
0xc9: {  	_ =	shalt  }
tec
execute0_lowered:
.L_overlay_start_1:
0x0: {  	(tag) =	ssettag $0x1  }
0x1: {  	s0 =	srdreg.scid  }
0x2: {  	s17 =	sand.u32 $0x1, s0  }
0x3: {  	s14 =	rddreg [dreg:$0x0];
	s9 =	smul.u32 $0x24, s17  }
0x4: {  	s10 =	rddreg [dreg:$0x1];
	s1 =	stileid.u32  }
0x5: {  	s2 =	simm.s32 $0x0;
	s0 =	rddreg [dreg:$0x2];
	s15 =	sadd.s32 s1, s9  }
0x6: {  	[smem:$0x7FF] =	sst s2;
	s3 =	sshll.u32 s15, $0x4  }
0x7: {  	_ =	strace $0x80000050;
	s4 =	sadd.s32 s10, s3;
	s3 =	simm.s32 $0x4  }
0x8: {  	[tilespmem:s2], [sflag:$0x4] =	stream.linear.gather [hbm4b:s4+s2], $0x80, $0x38;
	[tilespmem:$0xC180] =	vst v63  }
0x9: {  	s6 =	simm.s32 $0x80;
	_ =	swait.ge [sflag:s3], $0x80  }
0xa: {  	s7 =	simm.s32 $0x180;
	s16 =	sadd.s32 $0x10, s15;
	[sflag:s3] =	ssyncset.done $0x0  }
0xb: {  	s5 =	sadd.s32 $0x3200, s14;
	s8 =	sshll.u32 s16, $0x4;
	[sflag:s3] =	ssyncadd.s32 $0xFFFFFF80  }
0xc: {  	[tilespmem:s7], [sflag:$0x1] =	stream.indirect.gather [hbm4b:s5+s6], $0x80, s2, s6, $0xb8;
	[tilespmem:$0xC180] =	vst v63  }
0xd: {  	s11 =	smin.u32 s1, $0x3;
	s8 =	sadd.s32 s10, s8  }
0xe: {  	[tilespmem:s6], [sflag:$0x4] =	stream.linear.gather [hbm4b:s8+s2], $0x80, $0x38;
	[tilespmem:$0xC180] =	vst v63  }
0xf: {  	s9 =	sor.u32 s11, s9;
	_ =	swait.ge [sflag:s3], $0x80  }
0x10: {  	s18 =	sadd.s32 $0x20, s9;
	[sflag:s3] =	ssyncset.done $0x0  }
0x11: {  	s9 =	simm.s32 $0x4180;
	s29 =	sshll.u32 s18, $0x4;
	[sflag:s3] =	ssyncadd.s32 $0xFFFFFF80  }
0x12: {  	[tilespmem:s9], [sflag:$0x2] =	stream.indirect.gather [hbm4b:s5+s6], $0x80, s6, s6, $0xb8;
	[tilespmem:$0xC180] =	vst v63  }
0x13: {  	s11 =	simm.s32 $0x100;
	s10 =	sadd.s32 s10, s29  }
0x14: {  	[tilespmem:s11], [sflag:$0x4] =	stream.linear.gather [hbm4b:s10+s2], $0x80, $0x38;
	[tilespmem:$0xC180] =	vst v63  }
0x15: {  	_ =	swait.ge [sflag:s3], $0x80  }
0x16: {  	[sflag:s3] =	ssyncset.done $0x0  }
0x17: {  	s12 =	simm.s32 $0x8180;
	s13 =	simm.s32 $0x1;
	[sflag:s3] =	ssyncadd.s32 $0xFFFFFF80  }
0x18: {  	[tilespmem:s12], [sflag:$0x3] =	stream.indirect.gather [hbm4b:s5+s6], $0x80, s11, s6, $0xb8;
	[tilespmem:$0xC180] =	vst v63  }
0x19: {  	_ =	swait.ge [sflag:s13], $0x4000  }
0x1a: {  	s19 =	sadd.s32 $0x51400, s14;
	s30 =	sshll.u32 s15, $0xB;
	[sflag:s13] =	ssyncset.done $0x0  }
0x1b: {  	s14 =	sadd.s32 s19, s30;
	[sflag:s13] =	ssyncadd.s32 $0xFFFFC000  }
0x1c: {  	[hbm4b:s14+s2] =	stream.linear.scatter [tilespmem:s7], [sflag:$0x4], $0x4000, $0x38;
	[tilespmem:$0xC180] =	vst v63  }
0x1d: {  	_ =	swait.ge [sflag:s3], $0x4000  }
0x1e: {  	[sflag:s3] =	ssyncset.done $0x0  }
0x1f: {  	s15 =	simm.s32 $0x2;
	[sflag:s3] =	ssyncadd.s32 $0xFFFFC000  }
0x20: {  	_ =	swait.ge [sflag:s15], $0x4000  }
0x21: {  	s16 =	sshll.u32 s16, $0xB;
	[sflag:s15] =	ssyncset.done $0x0  }
0x22: {  	s20 =	ssub.s32 $0x2, s17;
	s16 =	sadd.s32 s19, s16;
	[sflag:s15] =	ssyncadd.s32 $0xFFFFC000  }
0x23: {  	[hbm4b:s16+s2] =	stream.linear.scatter [tilespmem:s9], [sflag:$0x4], $0x4000, $0x38;
	[tilespmem:$0xC180] =	vst v63  }
0x24: {  	s21 =	sshrl.u32 s20, $0x1;
	_ =	swait.ge [sflag:s3], $0x4000  }
0x25: {  	s20 =	ssub.s32 s20, s21;
	[sflag:s3] =	ssyncset.done $0x0  }
0x26: {  	s17 =	simm.s32 $0x3;
	s31 =	smax.u32 s20, $0x1;
	[sflag:s3] =	ssyncadd.s32 $0xFFFFC000  }
0x27: {  	p0 =	sne.s32 s31, $0x1;
	_ =	swait.ge [sflag:s17], $0x4000  }
.Ltmp0:
0x28: {  	s18 =	sshll.u32 s18, $0xB;
	[sflag:s17] =	ssyncset.done $0x0;
	(pc) =	sbr.rel @!p0 .LBB2_2-.Ltmp0, $4  }
0x29: {  	s18 =	sadd.s32 s19, s18;
	[sflag:s17] =	ssyncadd.s32 $0xFFFFC000  }
0x2a: {  	[hbm4b:s18+s2] =	stream.linear.scatter [tilespmem:s12], [sflag:$0x4], $0x4000, $0x38;
	[tilespmem:$0xC180] =	vst v63  }
0x2b: {  	_ =	swait.ge [sflag:s3], $0x4000  }
0x2c: {  	s19 =	sadd.s32 $0xFFFFFFFF, s31;
	[sflag:s3] =	ssyncset.done $0x0  }
.LBB2_1:
0x2d: {  	p0 =	sne.s32 s19, $0x1;
	s19 =	sadd.s32 $0xFFFFFFFF, s19;
	[sflag:s3] =	ssyncadd.s32 $0xFFFFC000  }
0x2e: {  	[tilespmem:s2], [sflag:$0x4] =	stream.linear.gather [hbm4b:s4+s2], $0x80, $0x38;
	[tilespmem:$0xC180] =	vst v63  }
0x2f: {  	_ =	swait.ge [sflag:s3], $0x80  }
0x30: {  	[sflag:s3] =	ssyncset.done $0x0  }
0x31: {  	[sflag:s3] =	ssyncadd.s32 $0xFFFFFF80  }
0x32: {  	[tilespmem:s7], [sflag:$0x1] =	stream.indirect.gather [hbm4b:s5+s6], $0x80, s2, s6, $0xb8;
	[tilespmem:$0xC180] =	vst v63  }
0x33: {  	_ = 	snop  }
0x34: {  	[tilespmem:s6], [sflag:$0x4] =	stream.linear.gather [hbm4b:s8+s2], $0x80, $0x38;
	[tilespmem:$0xC180] =	vst v63  }
0x35: {  	_ =	swait.ge [sflag:s3], $0x80  }
0x36: {  	[sflag:s3] =	ssyncset.done $0x0  }
0x37: {  	[sflag:s3] =	ssyncadd.s32 $0xFFFFFF80  }
0x38: {  	[tilespmem:s9], [sflag:$0x2] =	stream.indirect.gather [hbm4b:s5+s6], $0x80, s6, s6, $0xb8;
	[tilespmem:$0xC180] =	vst v63  }
0x39: {  	_ = 	snop  }
0x3a: {  	[tilespmem:s11], [sflag:$0x4] =	stream.linear.gather [hbm4b:s10+s2], $0x80, $0x38;
	[tilespmem:$0xC180] =	vst v63  }
0x3b: {  	_ =	swait.ge [sflag:s3], $0x80  }
0x3c: {  	[sflag:s3] =	ssyncset.done $0x0  }
0x3d: {  	[sflag:s3] =	ssyncadd.s32 $0xFFFFFF80  }
0x3e: {  	[tilespmem:s12], [sflag:$0x3] =	stream.indirect.gather [hbm4b:s5+s6], $0x80, s11, s6, $0xb8;
	[tilespmem:$0xC180] =	vst v63  }
0x3f: {  	_ =	swait.ge [sflag:s13], $0x4000  }
0x40: {  	[sflag:s13] =	ssyncset.done $0x0  }
0x41: {  	[sflag:s13] =	ssyncadd.s32 $0xFFFFC000  }
0x42: {  	[hbm4b:s14+s2] =	stream.linear.scatter [tilespmem:s7], [sflag:$0x4], $0x4000, $0x38;
	[tilespmem:$0xC180] =	vst v63  }
0x43: {  	_ =	swait.ge [sflag:s3], $0x4000  }
0x44: {  	[sflag:s3] =	ssyncset.done $0x0  }
0x45: {  	[sflag:s3] =	ssyncadd.s32 $0xFFFFC000  }
0x46: {  	_ =	swait.ge [sflag:s15], $0x4000  }
0x47: {  	[sflag:s15] =	ssyncset.done $0x0  }
0x48: {  	[sflag:s15] =	ssyncadd.s32 $0xFFFFC000  }
0x49: {  	[hbm4b:s16+s2] =	stream.linear.scatter [tilespmem:s9], [sflag:$0x4], $0x4000, $0x38;
	[tilespmem:$0xC180] =	vst v63  }
0x4a: {  	_ =	swait.ge [sflag:s3], $0x4000  }
0x4b: {  	[sflag:s3] =	ssyncset.done $0x0  }
0x4c: {  	[sflag:s3] =	ssyncadd.s32 $0xFFFFC000  }
0x4d: {  	_ =	swait.ge [sflag:s17], $0x4000  }
.Ltmp1:
0x4e: {  	[sflag:s17] =	ssyncset.done $0x0;
	(pc) =	sbr.rel @p0 .LBB2_1-.Ltmp1, $4  }
0x4f: {  	[sflag:s17] =	ssyncadd.s32 $0xFFFFC000  }
0x50: {  	[hbm4b:s18+s2] =	stream.linear.scatter [tilespmem:s12], [sflag:$0x4], $0x4000, $0x38;
	[tilespmem:$0xC180] =	vst v63  }
0x51: {  	_ =	swait.ge [sflag:s3], $0x4000  }
0x52: {  	[sflag:s3] =	ssyncset.done $0x0  }
.LBB2_2:
0x53: {  	[sflag:s3] =	ssyncadd.s32 $0xFFFFC000  }
0x54: {  	_ =	sfence.sel $0x180000  }
0x55: {  	[bflag:$0x0] =	sbarrier.arrive $0xFFFF  }
0x56: {  	p0 =	sne.s32 s1, $0x0;
	_ =	strace $0x90000050  }
0x57: {  	s0 =	sadd.s32 @!p0 $0x100000, s0;
	[bflag:$0x2] =	sbarrier.arrive $0xFFFF  }
0x58: {  	[sflag:s0] =	ssyncadd.tile.s32 @!p0 $0x1;
	_ =	shalt  }
.Lfunc_end2:
_tile_overlayer_lowered:
.L_overlay_start_2:
0x59: {  	(tag) =	ssettag $0x2  }
0x5a: {  	s0 =	rddreg [dreg:$0x0];
	s2 =	stileid.u32  }
0x5b: {  	s1 =	rddreg [dreg:$0x1];
	p0 =	sne.s32 s2, $0x0  }
0x5c: {  	s3 =	rddreg [dreg:$0x2];
	[bflag:$0x3] =	sbarrier.arrive $0xFFFF;
	s2 =	simm.s32 @!p0 $0x1C04  }
0x5d: {  	[timem:s3], [sflag:s2] =	dma.local @!p0 [hbm:s0], s1  }
0x5e: {  	s0 =	simm.s32 @!p0 $0x4  }
0x5f: {  	_ =	swait.ge @!p0 [sflag:s0], s1  }
0x60: {  	s1 =	ssub.s32 @!p0 $0x0, s1;
	[sflag:s0] =	ssyncset.done @!p0 $0x0  }
0x61: {  	[sflag:s0] =	ssyncadd.s32 @!p0 s1  }
0x62: {  	[bflag:$0x3] =	sbarrier.arrive $0xFFFF  }
0x63: {  	_ =	shalt  }

// kernel: kernel.9.cloned.1.call-start
scs
__scs_entry_jumppad:
0x0: {  	(pc) =	sbr.rel $0x88, $3  }
0x1: {  	(tag) =	ssettag $0x0;
	lr =	simm.s32 $0x1  }
0x2: {  	[smem:$0x3F99] =	sst lr;
	_ =	strace $0xD0000000  }
0x3: {  	_ = 	snop  }
0x4: {  	_ = 	snop  }
0x5: {  	_ = 	snop  }
0x6: {  	_ = 	snop  }
0x7: {  	_ = 	snop  }
__scs_overlays_trampoline_lowered:
0x8: {  	[smem:$0x3FA8] =	sst s0  }
0x9: {  	[smem:$0x3FA9] =	sst s1  }
0xa: {  	[smem:$0x3FAA] =	sst s2  }
0xb: {  	[smem:$0x3FAB] =	sst s3  }
0xc: {  	[smem:$0x3FAC] =	sst s4  }
0xd: {  	[smem:$0x3FAD] =	sst s5  }
0xe: {  	[smem:$0x3FAE] =	sst s6  }
0xf: {  	[smem:$0x3FAF] =	sst s7  }
0x10: {  	[smem:$0x3FB0] =	sst s8  }
0x11: {  	[smem:$0x3FB1] =	sst s9;
	s0 =	simm.s32 @!p0 $0x0  }
0x12: {  	s1 =	sld [smem:$0x3F97];
	s0 =	simm.s32 @p0 $0x1  }
0x13: {  	[smem:$0x3FB2] =	sst s0;
	s0 =	simm.s32 @!p1 $0x0  }
0x14: {  	s2 =	sld [smem:$0x3F96];
	s0 =	simm.s32 @p1 $0x1  }
0x15: {  	[smem:$0x3FB3] =	sst s0;
	s0 =	simm.s32 @!p2 $0x0  }
0x16: {  	s3 =	sld [smem:$0x3FDB];
	s0 =	simm.s32 @p2 $0x1  }
0x17: {  	s4 =	simm.s32 $0x1BF5;
	[smem:$0x3FB5] =	sst s0  }
0x18: {  	s0 =	sld [smem:$0x3F98];
	_ =	swait.ge [sflag:s4], $0x0  }
0x19: {  	s7 =	sld [smem:$0x3F99]  }
0x1a: {  	s8 =	sadd.s32 $0xFFFFE003, lr  }
0x1b: {  	s9 =	sadd.s32 $0xFFFFFEF7, lr;
	s5 =	simm.s32 $0xFFFFFFFF;
	p2 =	slt.u32 s8, $0xFFFFF086  }
0x1c: {  	p1 =	slt.u32 s9, $0xF7A;
	s5 =	simm.s32 @!p2 $0x0  }
0x1d: {  	s5 =	simm.s32 @p1 $0x1;
	p0 =	seq.s32 s7, s2  }
0x1e: {  	s7 =	smul.u32 @!p0 $0xF7A, s2;
	p2 =	seq.s32 @!p0 s5, $0x0  }
0x1f: {  	s9 =	smul.u32 $0xF7A, s1;
	s8 =	simm.s32 @!p0 $0x1BF5;
	p2 =	por !p2, p0  }
0x20: {  	[sflag:s8] =	ssyncset.s32 @!p0 $0xFFFFF086;
	s6 =	sadd.s32 @!p0 s3, s7;
	s7 =	simm.s32 @!p0 $0x108  }
0x21: {  	s3 =	sadd.s32 s3, s9;
	s6 =	sadd.s32 @!p0 $0x88, s6;
	s7 =	simm.s32 @p2 $0x1082  }
0x22: {  	[simem:s7], [sflag:s8] =	dma.local @!p0 [hbm:s6], $0xF7A  }
0x23: {  	s9 =	sor.u32 $0xD0000000, s2;
	s6 =	simm.s32 $0x108;
	_ =	swait.ge @!p0 [sflag:s8], $0x0  }
0x24: {  	s3 =	sadd.s32 $0x88, s3;
	s6 =	simm.s32 @!p1 $0x1082;
	[sflag:s4] =	ssyncset.s32 $0xFFFFF086  }
0x25: {  	[simem:s6], [sflag:s4] =	dma.local [hbm:s3], $0xF7A  }
0x26: {  	[smem:$0x3F99] =	sst s1;
	(tag) =	ssettag s2;
	_ =	strace s9  }
0x27: {  	s1 =	sld [smem:$0x3FA9]  }
0x28: {  	s2 =	sld [smem:$0x3FAA]  }
0x29: {  	s4 =	sld [smem:$0x3FAC]  }
0x2a: {  	p0 =	seq.s32 s5, $0x0;
	s5 =	sld [smem:$0x3FAD]  }
0x2b: {  	s6 =	sld [smem:$0x3FAE]  }
0x2c: {  	s7 =	sld [smem:$0x3FAF]  }
0x2d: {  	s3 =	simm.s32 $0x108;
	s8 =	sld [smem:$0x3FB0]  }
0x2e: {  	s3 =	simm.s32 @!p0 $0x1082;
	s9 =	sld [smem:$0x3FB1]  }
0x2f: {  	lr =	sadd.s32 s0, s3;
	s0 =	sld [smem:$0x3FA8]  }
0x30: {  	s3 =	sld [smem:$0x3FAB]  }
0x31: {  	[smem:$0x3FB4] =	sst s10  }
0x32: {  	s10 =	sld [smem:$0x3FB2];
	_ =	sdelay $0x3  }
0x33: {  	p0 =	seq.s32 s10, $0x1;
	s10 =	sld [smem:$0x3FB4];
	_ =	sdelay $0x3  }
0x34: {  	[smem:$0x3FB4] =	sst s10  }
0x35: {  	s10 =	sld [smem:$0x3FB3];
	_ =	sdelay $0x3  }
0x36: {  	p1 =	seq.s32 s10, $0x1;
	s10 =	sld [smem:$0x3FB4];
	_ =	sdelay $0x3  }
0x37: {  	[smem:$0x3FB4] =	sst s10  }
0x38: {  	s10 =	sld [smem:$0x3FB5]  }
0x39: {  	_ = 	snop;
	(pc) =	sbr.ind lr, $3  }
0x3a: {  	_ = 	snop  }
0x3b: {  	_ = 	snop  }
0x3c: {  	p2 =	seq.s32 s10, $0x1;
	s10 =	sld [smem:$0x3FB4]  }
0x3d: {  	_ =	shalt  }
0x3e: {  	_ =	shalt  }
0x3f: {  	_ =	shalt  }
0x40: {  	_ =	shalt  }
0x41: {  	_ =	shalt  }
0x42: {  	_ =	shalt  }
0x43: {  	_ =	shalt  }
0x44: {  	_ =	shalt  }
0x45: {  	_ =	shalt  }
0x46: {  	_ =	shalt  }
0x47: {  	_ =	shalt  }
0x48: {  	_ =	shalt  }
0x49: {  	_ =	shalt  }
0x4a: {  	_ =	shalt  }
0x4b: {  	_ =	shalt  }
0x4c: {  	_ =	shalt  }
0x4d: {  	_ =	shalt  }
0x4e: {  	_ =	shalt  }
0x4f: {  	_ =	shalt  }
0x50: {  	_ =	shalt  }
0x51: {  	_ =	shalt  }
0x52: {  	_ =	shalt  }
0x53: {  	_ =	shalt  }
0x54: {  	_ =	shalt  }
0x55: {  	_ =	shalt  }
0x56: {  	_ =	shalt  }
0x57: {  	_ =	shalt  }
0x58: {  	_ =	shalt  }
0x59: {  	_ =	shalt  }
0x5a: {  	_ =	shalt  }
0x5b: {  	_ =	shalt  }
0x5c: {  	_ =	shalt  }
0x5d: {  	_ =	shalt  }
0x5e: {  	_ =	shalt  }
0x5f: {  	_ =	shalt  }
0x60: {  	_ =	shalt  }
0x61: {  	_ =	shalt  }
0x62: {  	_ =	shalt  }
0x63: {  	_ =	shalt  }
0x64: {  	_ =	shalt  }
0x65: {  	_ =	shalt  }
0x66: {  	_ =	shalt  }
0x67: {  	_ =	shalt  }
0x68: {  	_ =	shalt  }
0x69: {  	_ =	shalt  }
0x6a: {  	_ =	shalt  }
0x6b: {  	_ =	shalt  }
0x6c: {  	_ =	shalt  }
0x6d: {  	_ =	shalt  }
0x6e: {  	_ =	shalt  }
0x6f: {  	_ =	shalt  }
0x70: {  	_ =	shalt  }
0x71: {  	_ =	shalt  }
0x72: {  	_ =	shalt  }
0x73: {  	_ =	shalt  }
0x74: {  	_ =	shalt  }
0x75: {  	_ =	shalt  }
0x76: {  	_ =	shalt  }
0x77: {  	_ =	shalt  }
0x78: {  	_ =	shalt  }
0x79: {  	_ =	shalt  }
0x7a: {  	_ =	shalt  }
0x7b: {  	_ =	shalt  }
0x7c: {  	_ =	shalt  }
0x7d: {  	_ =	shalt  }
0x7e: {  	_ =	shalt  }
0x7f: {  	_ =	shalt  }
0x80: {  	_ =	shalt  }
0x81: {  	_ =	shalt  }
0x82: {  	_ =	shalt  }
0x83: {  	_ =	shalt  }
0x84: {  	_ =	shalt  }
0x85: {  	_ =	shalt  }
0x86: {  	_ =	shalt  }
0x87: {  	_ =	shalt  }
.Lfunc_end0:
.L_simem_size_0:
called_computation_lowered:
.L_overlay_start_0:
0x88: {  	s2 =	sld [smem:$0x3FD9]  }
0x89: {  	s3 =	sld [smem:$0x3FFE];
	_ =	sdelay $0x1  }
0x8a: {  	s1 =	srdreg.scid  }
0x8b: {  	s0 =	sand.u32 $0x1, s1  }
0x8c: {  	s14 =	sshll.u32 s0, $0xA;
	s2 =	sadd.s32 s3, s2  }
0x8d: {  	s2 =	sadd.s32 s2, s14  }
0x8e: {  	[smem:$0x3FC0] =	sst s2  }
0x8f: {  	_ = 	snop  }
0x90: {  	s2 =	sld [smem:$0x3FD0];
	_ =	sdelay $0x2  }
0x91: {  	s15 =	simm.s32 $0xA;
	s4 =	simm.s32 $0x10  }
0x92: {  	[smem:s4], [sflag:s15] =	dma.local [hbm:s2], $0x1  }
0x93: {  	_ =	swait.eq [sflag:s15], $0x1  }
0x94: {  	[sflag:s15] =	ssyncset.done $0x0  }
0x95: {  	[sflag:s15] =	ssyncadd.s32 $0xFFFFFFFF  }
0x96: {  	s16 =	sld [smem:$0x10];
	(tm) =	ssettm $0x1  }
0x97: {  	s17 =	sld [smem:$0x3FFB];
	_ =	sdelay $0x3  }
0x98: {  	_ =	strace s17  }
0x99: {  	s3 =	sld [smem:$0x3FFC];
	_ =	sdelay $0x3  }
0x9a: {  	_ =	strace s3  }
0x9b: {  	s3 =	sld [smem:$0x3FFD];
	_ =	sdelay $0x3  }
0x9c: {  	_ =	strace s3  }
0x9d: {  	_ =	strace $0x8FFFFFFF  }
0x9e: {  	s18 =	sld [smem:$0x3FDB];
	_ =	sdelay $0x1  }
0x9f: {  	s19 =	simm.s32 $_scs_section_size  }
0xa0: {  	s5 =	simm.s32 $_size__tile_overlayer_lowered;
	s6 =	simm.s32 $_tile_overlayer_lowered  }
0xa1: {  	s22 =	simm.s32 $0x1BFF;
	s21 =	sshll.u32 s6, $0x1;
	s3 =	sadd.s32 s19, s18  }
0xa2: {  	s7 =	simm.s32 $0x0;
	s20 =	sshll.u32 s5, $0x1;
	s5 =	sadd.s32 s21, s3  }
0xa3: {  	[timem:s7], [sflag:s22] =	dma.local [hbm:s5], s20  }
0xa4: {  	_ =	swait.ge [sflag:s22], s20  }
0xa5: {  	s4 =	ssub.s32 $0x0, s20;
	[sflag:s22] =	ssyncset.done $0x0  }
0xa6: {  	[sflag:s22] =	ssyncadd.s32 s4;
	_ =	sdelay $0x1  }
0xa7: {  	s23 =	simm.s32 $0x1B8B  }
0xa8: {  	_ =	swait.ge [sflag:s23], $0x1  }
0xa9: {  	[sflag:s23] =	ssyncset.done $0x0  }
0xaa: {  	s25 =	simm.s32 $0x1B8E;
	s24 =	sld [smem:$0x3FFE];
	[sflag:s23] =	ssyncadd.s32 $0xFFFFFFFF  }
0xab: {  	s26 =	simm.s32 $execute0_lowered;
	[smem:$0x3FD2] =	sst s25  }
0xac: {  	s5 =	sshll.u32 s26, $0x1;
	_ =	strace $0x80000046;
	[dreg:$0x1] =	wrdreg $0xFFFFFFFF  }
0xad: {  	s28 =	simm.s32 $_size_execute0_lowered;
	s3 =	sadd.s32 s3, s5;
	[dreg:$0x0] =	wrdreg $0x0  }
0xae: {  	s5 =	sshll.u32 s28, $0x1;
	[dreg:$0x2] =	wrdreg s3  }
0xaf: {  	[dreg:$0x3] =	wrdreg s5  }
0xb0: {  	[dreg:$0x4] =	wrdreg $0xC0  }
0xb1: {  	_ =	task [dreg:s7], $0x5FFFF  }
0xb2: {  	[dreg:$0x1] =	wrdreg $0xFFFFFFFF  }
0xb3: {  	[dreg:$0x0] =	wrdreg $0x60  }
0xb4: {  	[dreg:$0x2] =	wrdreg s24  }
0xb5: {  	[dreg:$0x3] =	wrdreg s16  }
0xb6: {  	[dreg:$0x4] =	wrdreg $0x9  }
0xb7: {  	_ =	task.clear_ibuf [dreg:s7], $0x5FFFF;
	_ =	strace $0x90000046  }
0xb8: {  	s29 =	simm.s32 $0x9;
	_ =	strace $0x80000048  }
0xb9: {  	_ =	swait.ge [sflag:s29], $0x1  }
0xba: {  	[sflag:s29] =	ssyncadd.s32 $0xFFFFFFFF  }
0xbb: {  	_ =	strace $0x90000048  }
0xbc: {  	_ =	sfence  }
0xbd: {  	s30 =	sld [smem:$0x0];
	_ =	sdelay $0x2  }
0xbe: {  	s31 =	sshll.u32 s1, $0xD;
	s1 =	sshrl.u32 s1, $0x2  }
0xbf: {  	s3 =	sand.u32 $0x4000, s31;
	s1 =	sadd.s32 s1, s30  }
0xc0: {  	s0 =	sor.u32 s3, s0;
	s1 =	sshll.u32 s1, $0x11  }
0xc1: {  	s0 =	sor.u32 s1, s0  }
0xc2: {  	s0 =	sadd.s32 $0x8F2B, s0  }
0xc3: {  	[sflag:s0] =	ssyncadd.remote.s32 $0x1  }
0xc4: {  	_ =	sfence.sel $0xFFFF  }
0xc5: {  	[dreg:$0x0] =	wrdreg $0xFFFFFFFF;
	(pc) =	sbr.abs _section_cstart, $3  }
0xc6: {  	[dreg:$0x1] =	wrdreg $0xFFFFFFFF  }
0xc7: {  	_ =	task.clear_ibuf [dreg:s7], $0x2FFFF;
	_ =	strace $0x9FFFFFFF  }
0xc8: {  	(tm) =	ssettm $0x7FFFFFFF  }
0xc9: {  	_ =	shalt  }
tec
execute0_lowered:
.L_overlay_start_1:
0x0: {  	(tag) =	ssettag $0x1  }
0x1: {  	s0 =	srdreg.scid;
	s1 =	stileid.u32  }
0x2: {  	s3 =	rddreg [dreg:$0x0];
	s5 =	sand.u32 $0x1, s0;
	s7 =	smul.u32 $0xA000, s1  }
0x3: {  	s4 =	rddreg [dreg:$0x1];
	s2 =	simm.s32 $0x0;
	s6 =	smul.u32 $0xA0000, s5  }
0x4: {  	s0 =	rddreg [dreg:$0x2];
	s9 =	sshrl.u32 s1, $0x3;
	s8 =	smul.u32 $0x28000, s5  }
0x5: {  	[smem:$0x7FF] =	sst s2;
	s28 =	sshll.u32 s1, $0x7;
	s26 =	smul.u32 $0x14000, s9  }
0x6: {  	_ =	strace $0x80000047;
	s5 =	ssub.s32 $0x2, s5;
	s29 =	sand.u32 $0x380, s28  }
0x7: {  	s9 =	simm.s32 $0x400;
	s30 =	sshrl.u32 s5, $0x1;
	s6 =	sadd.s32 s7, s6  }
0x8: {  	s7 =	sadd.s32 s8, s26;
	s5 =	ssub.s32 s5, s30;
	s8 =	simm.s32 $0x80  }
0x9: {  	s6 =	sshrl.u32 s6, $0x3;
	s7 =	sor.u32 s29, s7;
	s5 =	smax.u32 s5, $0x1  }
0xa: {  	s3 =	sadd.s32 s6, s3;
	s31 =	sshrl.u32 s7, $0x3;
	s6 =	simm.s32 $0x1  }
0xb: {  	v0 =	vimm.f32 $0.0e+00;
	v1 =	vimm.f32 $1.000000000e+00;
	s7 =	simm.s32 $0xA000;
	s3 =	sadd.s32 $0x3200, s3;
	s4 =	sadd.s32 s4, s31  }
.LBB2_1:
0xc: {  	s10 =	simm.s32 $0x40;
	s11 =	simm.s32 $0x0  }
.LBB2_2:
0xd: {  	p0 =	sne.s32 s10, $0x9E00;
	[tilespmem:s11+$0xA000] =	vst v0;
	s11 =	smov.u32 s10;
	s10 =	sadd.s32 $0x40, s10  }
.Ltmp0:
0xe: {  	(pc) =	sbr.rel @p0 .LBB2_2-.Ltmp0, $2  }
0xf: {  	_ =	sdelay $0x2  }
0x10: {  	s11 =	sshra.s32 s11, $0x2  }
0x11: {  	[tilespmem:s11+$0xA000] =	vst v0;
	s10 =	simm.s32 $0x0  }
0x12: {  	[tilespmem:s10], [sflag:$0x1] =	stream.linear.gather [hbm4b:s3+s10], $0xA000, $0x38;
	[tilespmem:$0xC800] =	vst v63  }
0x13: {  	_ =	swait.ge [sflag:s6], $0xA000  }
0x14: {  	[sflag:s6] =	ssyncset.done $0x0  }
0x15: {  	s11 =	simm.s32 $0x0;
	s10 =	simm.s32 $0x40;
	[sflag:s6] =	ssyncadd.s32 $0xFFFF6000  }
.LBB2_4:
0x16: {  	p0 =	sne.s32 s10, $0x27FC0;
	v2 =	vld [tilespmem:s11+$0x0];
	_ =	sdelay $0x3  }
.Ltmp1:
0x17: {  	(pc) =	sbr.rel @p0 .LBB2_4-.Ltmp1, $2  }
0x18: {  	_ =	sdelay $0x2  }
0x19: {  	s11 =	sshra.s32 s10, $0x2;
	s10 =	sadd.s32 $0x40, s10;
	[tilespmem:v2+s7+$0x0] =	vst.idx.add.f32.msk $0xffff, v1  }
0x1a: {  	v2 =	vld [tilespmem:s11+$0x0];
	_ =	sdelay $0x5  }
0x1b: {  	s2 =	sadd.s32 $0x1, s2  }
0x1c: {  	p0 =	sne.s32 s2, s5  }
.Ltmp2:
0x1d: {  	[tilespmem:v2+s7+$0x0] =	vst.idx.add.f32.msk $0xffff, v1;
	(pc) =	sbr.rel @p0 .LBB2_1-.Ltmp2, $4  }
0x1e: {  	[hbm4b:s4+s8] =	stream.strided.scatter [tilespmem:s7], [sflag:$0x1], $0x2800, s9, s8, $0x38;
	[tilespmem:$0xC800] =	vst v63  }
0x1f: {  	_ =	swait.ge [sflag:s6], $0x2800  }
0x20: {  	[sflag:s6] =	ssyncset.done $0x0  }
0x21: {  	[sflag:s6] =	ssyncadd.s32 $0xFFFFD800  }
0x22: {  	_ =	sfence.sel $0x180000  }
0x23: {  	[bflag:$0x0] =	sbarrier.arrive $0xFFFF  }
0x24: {  	p0 =	sne.s32 s1, $0x0;
	_ =	strace $0x90000047  }
0x25: {  	s0 =	sadd.s32 @!p0 $0x100000, s0;
	[bflag:$0x2] =	sbarrier.arrive $0xFFFF  }
0x26: {  	[sflag:s0] =	ssyncadd.tile.s32 @!p0 $0x1;
	_ =	shalt  }
.Lfunc_end2:
_tile_overlayer_lowered:
.L_overlay_start_2:
0x27: {  	(tag) =	ssettag $0x2  }
0x28: {  	s0 =	rddreg [dreg:$0x0];
	s2 =	stileid.u32  }
0x29: {  	s1 =	rddreg [dreg:$0x1];
	p0 =	sne.s32 s2, $0x0  }
0x2a: {  	s3 =	rddreg [dreg:$0x2];
	[bflag:$0x3] =	sbarrier.arrive $0xFFFF;
	s2 =	simm.s32 @!p0 $0x1C01  }
0x2b: {  	[timem:s3], [sflag:s2] =	dma.local @!p0 [hbm:s0], s1  }
0x2c: {  	s0 =	simm.s32 @!p0 $0x1  }
0x2d: {  	_ =	swait.ge @!p0 [sflag:s0], s1  }
0x2e: {  	s1 =	ssub.s32 @!p0 $0x0, s1;
	[sflag:s0] =	ssyncset.done @!p0 $0x0  }
0x2f: {  	[sflag:s0] =	ssyncadd.s32 @!p0 s1  }
0x30: {  	[bflag:$0x3] =	sbarrier.arrive $0xFFFF  }
0x31: {  	_ =	shalt  }

</sc_bundles>
